<compile_context>
chip_gen: v7x
topology: tpu7x:2x2x1
jax: 0.10.2.dev20260603
libtpu: 0.0.44.dev20260713+nightly
codegen_flags: <defaults>
</compile_context>

<pallas_src>
import functools

import jax
import jax.numpy as jnp
from jax import lax
from jax.experimental import pallas as pl
from jax.experimental.pallas import tpu as pltpu
from jax.experimental.pallas import tpu_sc as plsc

_D = 256
_L = 16
_NC = 2
_NS = 16
_NW = _NC * _NS
_C = 96


def _decoder_call(total_padded: int, chunks_per_w: int):
  per_w = chunks_per_w * _C
  mesh = plsc.VectorSubcoreMesh(core_axis_name="c", subcore_axis_name="s")

  @functools.partial(
      pl.kernel,
      mesh=mesh,
      out_type=jax.ShapeDtypeStruct((total_padded,), jnp.float32),
      scratch_types=[
          pltpu.VMEM((per_w,), jnp.int32),
          pltpu.VMEM((per_w,), jnp.int32),
          pltpu.VMEM((_C, _D), jnp.float32),
          pltpu.VMEM((_C, _D), jnp.float32),
          pltpu.VMEM((_C, _D), jnp.float32),
          pltpu.VMEM((_C, _D), jnp.float32),
          pltpu.VMEM((per_w,), jnp.float32),
          pltpu.SemaphoreType.DMA,
          pltpu.SemaphoreType.DMA,
          pltpu.SemaphoreType.DMA,
          pltpu.SemaphoreType.DMA,
      ],
  )
  def decoder(xq_hbm, xa_hbm, qidx_hbm, aidx_hbm, out_hbm,
              qidx_v, aidx_v, rq0, rq1, ra0, ra1, out_v,
              sq0, sq1, sa0, sa1):
    wid = lax.axis_index("s") * _NC + lax.axis_index("c")
    base = wid * per_w
    pltpu.sync_copy(qidx_hbm.at[pl.ds(base, per_w)], qidx_v)
    pltpu.sync_copy(aidx_hbm.at[pl.ds(base, per_w)], aidx_v)

    lane = lax.iota(jnp.int32, _L)

    def fire(t, rq, ra, sq, sa):
      off = t * _C
      pltpu.async_copy(xq_hbm.at[qidx_v.at[pl.ds(off, _C)]], rq, sq)
      pltpu.async_copy(xa_hbm.at[aidx_v.at[pl.ds(off, _C)]], ra, sa)

    def drain(rq, ra, sq, sa):
      pltpu.make_async_copy(xq_hbm.at[pl.ds(0, _C)], rq, sq).wait()
      pltpu.make_async_copy(xa_hbm.at[pl.ds(0, _C)], ra, sa).wait()

    def compute(t, rq, ra):
      def group_body(g, carry):
        go = g * _L

        def one_edge(row):
          parts = []
          for p in range(4):
            pd = p * (_D // 4)
            acc = (rq[row, pl.ds(pd, _L)] * ra[row, pl.ds(pd, _L)])
            for d in range(1, _D // (4 * _L)):
              acc = acc + (rq[row, pl.ds(pd + d * _L, _L)] *
                           ra[row, pl.ds(pd + d * _L, _L)])
            parts.append(acc)
          acc = (parts[0] + parts[1]) + (parts[2] + parts[3])
          for h in (8, 4, 2, 1):
            perm = (lane + h) % _L
            acc = acc + acc.at[perm].get(mode="promise_in_bounds")
          return acc

        def edge_body(e, res):
          return jnp.where(lane == e, one_edge(go + e), res)

        res = lax.fori_loop(0, _L, edge_body, jnp.zeros((_L,), jnp.float32))
        one = jnp.float32(1.0)
        out_v[pl.ds(t * _C + go, _L)] = one / (one + jnp.exp(-res))
        return carry

      lax.fori_loop(0, _C // _L, group_body, 0)

    fire(0, rq0, ra0, sq0, sa0)

    def pair_body(i, carry):
      t0 = 2 * i
      t1 = t0 + 1
      fire(t1, rq1, ra1, sq1, sa1)
      drain(rq0, ra0, sq0, sa0)
      compute(t0, rq0, ra0)

      @pl.when(t1 + 1 < chunks_per_w)
      def _():
        fire(t1 + 1, rq0, ra0, sq0, sa0)

      drain(rq1, ra1, sq1, sa1)
      compute(t1, rq1, ra1)
      return carry

    lax.fori_loop(0, chunks_per_w // 2, pair_body, 0)
    pltpu.sync_copy(out_v, out_hbm.at[pl.ds(base, per_w)])

  return decoder


def kernel(x_question, x_answer, pos_edge_label_index, neg_edge_label_index):
  e = pos_edge_label_index.shape[1]
  total = 2 * e
  pair = 2 * _NW * _C
  total_padded = -(-total // pair) * pair
  chunks_per_w = total_padded // (_NW * _C)

  qidx = jnp.concatenate(
      [pos_edge_label_index[0], neg_edge_label_index[0]]).astype(jnp.int32)
  aidx = jnp.concatenate(
      [pos_edge_label_index[1], neg_edge_label_index[1]]).astype(jnp.int32)
  pad = total_padded - total
  qidx = jnp.pad(qidx, (0, pad))
  aidx = jnp.pad(aidx, (0, pad))

  out = _decoder_call(total_padded, chunks_per_w)(
      x_question, x_answer, qidx, aidx)
  return out[:e], out[e:total]

# --- scband reference (transcript-rebuilt; emitter-appended) ---
"""Pipeline reference for scband-medical-hgt-10170482557469 (READ-ONLY COPY).

The authoritative reference and input builder live on the scoring server;
editing this copy changes nothing except your own understanding.
"""

import jax, jax.numpy as jnp
import numpy as np

N_NODES = 50000
D = 256
E = 150000

def setup_inputs(seed: int = 0) -> dict:
    key = jax.random.key(seed)
    k1, k2, k3, k4 = jax.random.split(key, 4)
    x_question = jax.random.normal(k1, (N_NODES, D), dtype=jnp.float32)
    x_answer = jax.random.normal(k2, (N_NODES, D), dtype=jnp.float32)
    pos_edge_label_index = jax.random.randint(k3, (2, E), 0, N_NODES, dtype=jnp.int64 if jax.config.jax_enable_x64 else jnp.int32)
    neg_edge_label_index = jax.random.randint(k4, (2, E), 0, N_NODES, dtype=jnp.int64 if jax.config.jax_enable_x64 else jnp.int32)
    return {
        "x_question": x_question,
        "x_answer": x_answer,
        "pos_edge_label_index": pos_edge_label_index,
        "neg_edge_label_index": neg_edge_label_index,
    }

def reference(x_question, x_answer, pos_edge_label_index, neg_edge_label_index):
    # Decoder.forward: gather endpoint embeddings, per-edge dot product, sigmoid
    pos_edge_feat_question = jnp.take(x_question, pos_edge_label_index[0], axis=0)
    pos_edge_feat_answer = jnp.take(x_answer, pos_edge_label_index[1], axis=0)
    pos_pred = jax.nn.sigmoid(jnp.sum(pos_edge_feat_question * pos_edge_feat_answer, axis=-1))

    neg_edge_feat_question = jnp.take(x_question, neg_edge_label_index[0], axis=0)
    neg_edge_feat_answer = jnp.take(x_answer, neg_edge_label_index[1], axis=0)
    neg_pred = jax.nn.sigmoid(jnp.sum(neg_edge_feat_question * neg_edge_feat_answer, axis=-1))

    return (pos_pred, neg_pred)

if __name__ == "__main__":
    import jax
    _d = setup_inputs()
    print(jax.jit(kernel)(*tuple(_d.values())))

</pallas_src>

<mosaic_0001>
#map = affine_map<(d0, d1) -> (0, 0)>
#map1 = affine_map<(d0, d1) -> (0)>
module attributes {stable_mosaic.version = 14 : i64} {
  func.func @decoder(%arg0: i32, %arg1: i32, %arg2: memref<50000x256xf32, #tpu.memory_space<hbm>>, %arg3: memref<50000x256xf32, #tpu.memory_space<hbm>>, %arg4: memref<301056xi32, #tpu.memory_space<hbm>>, %arg5: memref<301056xi32, #tpu.memory_space<hbm>>, %arg6: memref<301056xf32, #tpu.memory_space<hbm>>, %arg7: memref<9408xi32, #tpu.memory_space<vmem>>, %arg8: memref<9408xi32, #tpu.memory_space<vmem>>, %arg9: memref<96x256xf32, #tpu.memory_space<vmem>>, %arg10: memref<96x256xf32, #tpu.memory_space<vmem>>, %arg11: memref<96x256xf32, #tpu.memory_space<vmem>>, %arg12: memref<96x256xf32, #tpu.memory_space<vmem>>, %arg13: memref<9408xf32, #tpu.memory_space<vmem>>, %arg14: memref<!tpu.dma_semaphore, #tpu.memory_space<semaphore_mem>>, %arg15: memref<!tpu.dma_semaphore, #tpu.memory_space<semaphore_mem>>, %arg16: memref<!tpu.dma_semaphore, #tpu.memory_space<semaphore_mem>>, %arg17: memref<!tpu.dma_semaphore, #tpu.memory_space<semaphore_mem>>) attributes {dimension_semantics = [#tpu.dimension_semantics<core_parallel>, #tpu.dimension_semantics<subcore_parallel>], iteration_bounds = array<i64: 2, 16>, scalar_prefetch = 0 : i64, scratch_operands = 11 : i64, tpu.core_type = #tpu.core_type<sc_vector_subcore>, window_params = [{transform_indices = #map}, {transform_indices = #map}, {transform_indices = #map1}, {transform_indices = #map1}, {transform_indices = #map1}]} {
    %mul3A = arith.constant 2 : i32
    %mul3A_0 = arith.muli %arg1, %mul3A : i32
    %add3A = arith.addi %mul3A_0, %arg0 : i32
    %mul3A_1 = arith.constant 9408 : i32
    %mul3A_2 = arith.muli %add3A, %mul3A_1 : i32
    "tpu.region"() ({
      %run_scoped3A = tpu.sem_alloc : memref<!tpu.dma_semaphore, #tpu.memory_space<semaphore_mem>>
      %dma_start3A_17 = tpu.memref_slice %arg4[%mul3A_2] : memref<301056xi32, #tpu.memory_space<hbm>> -> memref<9408xi32, #tpu.memory_space<hbm>>
      %dma_start3A_18 = tpu.memref_slice %arg4[%mul3A_2] : memref<301056xi32, #tpu.memory_space<hbm>> -> memref<9408xi32, #tpu.memory_space<hbm>>
      tpu.enqueue_dma source(%dma_start3A_18 : memref<9408xi32, #tpu.memory_space<hbm>>) target(%arg7 : memref<9408xi32, #tpu.memory_space<vmem>>) target_semaphore(%run_scoped3A : memref<!tpu.dma_semaphore, #tpu.memory_space<semaphore_mem>>)
      %dma_wait3A = tpu.memref_slice %arg4[%mul3A_2] : memref<301056xi32, #tpu.memory_space<hbm>> -> memref<9408xi32, #tpu.memory_space<hbm>>
      %dma_wait3A_19 = tpu.memref_slice %arg4[%mul3A_2] : memref<301056xi32, #tpu.memory_space<hbm>> -> memref<9408xi32, #tpu.memory_space<hbm>>
      tpu.wait_dma2 semaphore(%run_scoped3A : memref<!tpu.dma_semaphore, #tpu.memory_space<semaphore_mem>>) src(%dma_wait3A_19 : memref<9408xi32, #tpu.memory_space<hbm>>) dst(%arg7 : memref<9408xi32, #tpu.memory_space<vmem>>)
      tpu.yield
    }) : () -> ()
    "tpu.region"() ({
      %run_scoped3A = tpu.sem_alloc : memref<!tpu.dma_semaphore, #tpu.memory_space<semaphore_mem>>
      %dma_start3A_17 = tpu.memref_slice %arg5[%mul3A_2] : memref<301056xi32, #tpu.memory_space<hbm>> -> memref<9408xi32, #tpu.memory_space<hbm>>
      %dma_start3A_18 = tpu.memref_slice %arg5[%mul3A_2] : memref<301056xi32, #tpu.memory_space<hbm>> -> memref<9408xi32, #tpu.memory_space<hbm>>
      tpu.enqueue_dma source(%dma_start3A_18 : memref<9408xi32, #tpu.memory_space<hbm>>) target(%arg8 : memref<9408xi32, #tpu.memory_space<vmem>>) target_semaphore(%run_scoped3A : memref<!tpu.dma_semaphore, #tpu.memory_space<semaphore_mem>>)
      %dma_wait3A = tpu.memref_slice %arg5[%mul3A_2] : memref<301056xi32, #tpu.memory_space<hbm>> -> memref<9408xi32, #tpu.memory_space<hbm>>
      %dma_wait3A_19 = tpu.memref_slice %arg5[%mul3A_2] : memref<301056xi32, #tpu.memory_space<hbm>> -> memref<9408xi32, #tpu.memory_space<hbm>>
      tpu.wait_dma2 semaphore(%run_scoped3A : memref<!tpu.dma_semaphore, #tpu.memory_space<semaphore_mem>>) src(%dma_wait3A_19 : memref<9408xi32, #tpu.memory_space<hbm>>) dst(%arg8 : memref<9408xi32, #tpu.memory_space<vmem>>)
      tpu.yield
    }) : () -> ()
    %iota3A = tpu.iota {dimensions = array<i32: 0>} : vector<16xi32>
    %dma_start3A = arith.constant 0 : i32
    %dma_start3A_3 = tpu.memref_slice %arg7[%dma_start3A] : memref<9408xi32, #tpu.memory_space<vmem>> -> memref<96xi32, #tpu.memory_space<vmem>>
    %dma_start3A_4 = arith.constant 0 : i32
    %dma_start3A_5 = arith.constant 0 : i32
    %dma_start3A_6 = tpu.memref_slice %arg2[%dma_start3A_4, %dma_start3A_5] : memref<50000x256xf32, #tpu.memory_space<hbm>> -> memref<50000x256xf32, #tpu.memory_space<hbm>>
    tpu.enqueue_indirect_dma source(%dma_start3A_6 : memref<50000x256xf32, #tpu.memory_space<hbm>>) target(%arg9 : memref<96x256xf32, #tpu.memory_space<vmem>>) offsets(%dma_start3A_3 : memref<96xi32, #tpu.memory_space<vmem>>) semaphore(%arg14 : memref<!tpu.dma_semaphore, #tpu.memory_space<semaphore_mem>>)
    %dma_start3A_7 = arith.constant 0 : i32
    %dma_start3A_8 = tpu.memref_slice %arg8[%dma_start3A_7] : memref<9408xi32, #tpu.memory_space<vmem>> -> memref<96xi32, #tpu.memory_space<vmem>>
    %dma_start3A_9 = arith.constant 0 : i32
    %dma_start3A_10 = arith.constant 0 : i32
    %dma_start3A_11 = tpu.memref_slice %arg3[%dma_start3A_9, %dma_start3A_10] : memref<50000x256xf32, #tpu.memory_space<hbm>> -> memref<50000x256xf32, #tpu.memory_space<hbm>>
    tpu.enqueue_indirect_dma source(%dma_start3A_11 : memref<50000x256xf32, #tpu.memory_space<hbm>>) target(%arg11 : memref<96x256xf32, #tpu.memory_space<vmem>>) offsets(%dma_start3A_8 : memref<96xi32, #tpu.memory_space<vmem>>) semaphore(%arg16 : memref<!tpu.dma_semaphore, #tpu.memory_space<semaphore_mem>>)
    %scan3A = arith.constant 0 : i32
    %scan3A_12 = arith.constant 0 : i32
    %scan3A_13 = arith.constant 49 : i32
    %scan3A_14 = arith.addi %scan3A_12, %scan3A_13 : i32
    %scan3A_15 = arith.constant 1 : i32
    scf.for %scan3A_17 = %scan3A_12 to %scan3A_14 step %scan3A_15  : i32 {
      %mul3A_18 = arith.constant 2 : i32
      %mul3A_19 = arith.muli %mul3A_18, %scan3A_17 : i32
      %add3A_20 = arith.constant 1 : i32
      %add3A_21 = arith.addi %mul3A_19, %add3A_20 : i32
      %mul3A_22 = arith.constant 96 : i32
      %mul3A_23 = arith.muli %add3A_21, %mul3A_22 : i32
      %dma_start3A_24 = tpu.memref_slice %arg7[%mul3A_23] : memref<9408xi32, #tpu.memory_space<vmem>> -> memref<96xi32, #tpu.memory_space<vmem>>
      %dma_start3A_25 = arith.constant 0 : i32
      %dma_start3A_26 = arith.constant 0 : i32
      %dma_start3A_27 = tpu.memref_slice %arg2[%dma_start3A_25, %dma_start3A_26] : memref<50000x256xf32, #tpu.memory_space<hbm>> -> memref<50000x256xf32, #tpu.memory_space<hbm>>
      tpu.enqueue_indirect_dma source(%dma_start3A_27 : memref<50000x256xf32, #tpu.memory_space<hbm>>) target(%arg10 : memref<96x256xf32, #tpu.memory_space<vmem>>) offsets(%dma_start3A_24 : memref<96xi32, #tpu.memory_space<vmem>>) semaphore(%arg15 : memref<!tpu.dma_semaphore, #tpu.memory_space<semaphore_mem>>)
      %dma_start3A_28 = tpu.memref_slice %arg8[%mul3A_23] : memref<9408xi32, #tpu.memory_space<vmem>> -> memref<96xi32, #tpu.memory_space<vmem>>
      %dma_start3A_29 = arith.constant 0 : i32
      %dma_start3A_30 = arith.constant 0 : i32
      %dma_start3A_31 = tpu.memref_slice %arg3[%dma_start3A_29, %dma_start3A_30] : memref<50000x256xf32, #tpu.memory_space<hbm>> -> memref<50000x256xf32, #tpu.memory_space<hbm>>
      tpu.enqueue_indirect_dma source(%dma_start3A_31 : memref<50000x256xf32, #tpu.memory_space<hbm>>) target(%arg12 : memref<96x256xf32, #tpu.memory_space<vmem>>) offsets(%dma_start3A_28 : memref<96xi32, #tpu.memory_space<vmem>>) semaphore(%arg17 : memref<!tpu.dma_semaphore, #tpu.memory_space<semaphore_mem>>)
      %dma_wait3A = arith.constant 0 : i32
      %dma_wait3A_32 = arith.constant 0 : i32
      %dma_wait3A_33 = tpu.memref_slice %arg2[%dma_wait3A, %dma_wait3A_32] : memref<50000x256xf32, #tpu.memory_space<hbm>> -> memref<96x256xf32, #tpu.memory_space<hbm>>
      %dma_wait3A_34 = arith.constant 0 : i32
      %dma_wait3A_35 = arith.constant 0 : i32
      %dma_wait3A_36 = tpu.memref_slice %arg2[%dma_wait3A_34, %dma_wait3A_35] : memref<50000x256xf32, #tpu.memory_space<hbm>> -> memref<96x256xf32, #tpu.memory_space<hbm>>
      tpu.wait_dma2 semaphore(%arg14 : memref<!tpu.dma_semaphore, #tpu.memory_space<semaphore_mem>>) src(%dma_wait3A_36 : memref<96x256xf32, #tpu.memory_space<hbm>>) dst(%arg9 : memref<96x256xf32, #tpu.memory_space<vmem>>)
      %dma_wait3A_37 = arith.constant 0 : i32
      %dma_wait3A_38 = arith.constant 0 : i32
      %dma_wait3A_39 = tpu.memref_slice %arg3[%dma_wait3A_37, %dma_wait3A_38] : memref<50000x256xf32, #tpu.memory_space<hbm>> -> memref<96x256xf32, #tpu.memory_space<hbm>>
      %dma_wait3A_40 = arith.constant 0 : i32
      %dma_wait3A_41 = arith.constant 0 : i32
      %dma_wait3A_42 = tpu.memref_slice %arg3[%dma_wait3A_40, %dma_wait3A_41] : memref<50000x256xf32, #tpu.memory_space<hbm>> -> memref<96x256xf32, #tpu.memory_space<hbm>>
      tpu.wait_dma2 semaphore(%arg16 : memref<!tpu.dma_semaphore, #tpu.memory_space<semaphore_mem>>) src(%dma_wait3A_42 : memref<96x256xf32, #tpu.memory_space<hbm>>) dst(%arg11 : memref<96x256xf32, #tpu.memory_space<vmem>>)
      %scan3A_43 = arith.constant 0 : i32
      %scan3A_44 = arith.constant 0 : i32
      %scan3A_45 = arith.constant 6 : i32
      %scan3A_46 = arith.addi %scan3A_44, %scan3A_45 : i32
      %scan3A_47 = arith.constant 1 : i32
      scf.for %scan3A_71 = %scan3A_44 to %scan3A_46 step %scan3A_47  : i32 {
        %mul3A_72 = arith.constant 16 : i32
        %mul3A_73 = arith.muli %scan3A_71, %mul3A_72 : i32
        %broadcast_in_dim3A = arith.constant 0.000000e+00 : f32
        %broadcast_in_dim3A_74 = vector.broadcast %broadcast_in_dim3A : f32 to vector<16xf32>
        %scan3A_75 = arith.constant 0 : i32
        %scan3A_76 = arith.constant 16 : i32
        %scan3A_77 = arith.addi %scan3A_75, %scan3A_76 : i32
        %scan3A_78 = arith.constant 1 : i32
        %scan3A_79 = scf.for %scan3A_94 = %scan3A_75 to %scan3A_77 step %scan3A_78 iter_args(%scan3A_95 = %broadcast_in_dim3A_74) -> (vector<16xf32>)  : i32 {
          %eq3A = vector.broadcast %scan3A_94 : i32 to vector<16xi32>
          %eq3A_96 = arith.cmpi eq, %iota3A, %eq3A : vector<16xi32>
          %add3A_97 = arith.addi %mul3A_73, %scan3A_94 : i32
          %get3A = arith.index_cast %add3A_97 : i32 to index
          %get3A_98 = arith.constant 0 : index
          %get3A_99 = tpu.vector_load %arg9[%get3A, %get3A_98] {strides = array<i32>} : memref<96x256xf32, #tpu.memory_space<vmem>>, vector<1x16xf32>,
          %get3A_100 = vector.shape_cast %get3A_99 : vector<1x16xf32> to vector<16xf32>
          %get3A_101 = arith.index_cast %add3A_97 : i32 to index
          %get3A_102 = arith.constant 0 : index
          %get3A_103 = tpu.vector_load %arg11[%get3A_101, %get3A_102] {strides = array<i32>} : memref<96x256xf32, #tpu.memory_space<vmem>>, vector<1x16xf32>,
          %get3A_104 = vector.shape_cast %get3A_103 : vector<1x16xf32> to vector<16xf32>
          %mul3A_105 = arith.mulf %get3A_100, %get3A_104 : vector<16xf32>
          %get3A_106 = arith.index_cast %add3A_97 : i32 to index
          %get3A_107 = arith.constant 16 : index
          %get3A_108 = tpu.vector_load %arg9[%get3A_106, %get3A_107] {strides = array<i32>} : memref<96x256xf32, #tpu.memory_space<vmem>>, vector<1x16xf32>,
          %get3A_109 = vector.shape_cast %get3A_108 : vector<1x16xf32> to vector<16xf32>
          %get3A_110 = arith.index_cast %add3A_97 : i32 to index
          %get3A_111 = arith.constant 16 : index
          %get3A_112 = tpu.vector_load %arg11[%get3A_110, %get3A_111] {strides = array<i32>} : memref<96x256xf32, #tpu.memory_space<vmem>>, vector<1x16xf32>,
          %get3A_113 = vector.shape_cast %get3A_112 : vector<1x16xf32> to vector<16xf32>
          %mul3A_114 = arith.mulf %get3A_109, %get3A_113 : vector<16xf32>
          %add3A_115 = arith.addf %mul3A_105, %mul3A_114 : vector<16xf32>
          %get3A_116 = arith.index_cast %add3A_97 : i32 to index
          %get3A_117 = arith.constant 32 : index
          %get3A_118 = tpu.vector_load %arg9[%get3A_116, %get3A_117] {strides = array<i32>} : memref<96x256xf32, #tpu.memory_space<vmem>>, vector<1x16xf32>,
          %get3A_119 = vector.shape_cast %get3A_118 : vector<1x16xf32> to vector<16xf32>
          %get3A_120 = arith.index_cast %add3A_97 : i32 to index
          %get3A_121 = arith.constant 32 : index
          %get3A_122 = tpu.vector_load %arg11[%get3A_120, %get3A_121] {strides = array<i32>} : memref<96x256xf32, #tpu.memory_space<vmem>>, vector<1x16xf32>,
          %get3A_123 = vector.shape_cast %get3A_122 : vector<1x16xf32> to vector<16xf32>
          %mul3A_124 = arith.mulf %get3A_119, %get3A_123 : vector<16xf32>
          %add3A_125 = arith.addf %add3A_115, %mul3A_124 : vector<16xf32>
          %get3A_126 = arith.index_cast %add3A_97 : i32 to index
          %get3A_127 = arith.constant 48 : index
          %get3A_128 = tpu.vector_load %arg9[%get3A_126, %get3A_127] {strides = array<i32>} : memref<96x256xf32, #tpu.memory_space<vmem>>, vector<1x16xf32>,
          %get3A_129 = vector.shape_cast %get3A_128 : vector<1x16xf32> to vector<16xf32>
          %get3A_130 = arith.index_cast %add3A_97 : i32 to index
          %get3A_131 = arith.constant 48 : index
          %get3A_132 = tpu.vector_load %arg11[%get3A_130, %get3A_131] {strides = array<i32>} : memref<96x256xf32, #tpu.memory_space<vmem>>, vector<1x16xf32>,
          %get3A_133 = vector.shape_cast %get3A_132 : vector<1x16xf32> to vector<16xf32>
          %mul3A_134 = arith.mulf %get3A_129, %get3A_133 : vector<16xf32>
          %add3A_135 = arith.addf %add3A_125, %mul3A_134 : vector<16xf32>
          %get3A_136 = arith.index_cast %add3A_97 : i32 to index
          %get3A_137 = arith.constant 64 : index
          %get3A_138 = tpu.vector_load %arg9[%get3A_136, %get3A_137] {strides = array<i32>} : memref<96x256xf32, #tpu.memory_space<vmem>>, vector<1x16xf32>,
          %get3A_139 = vector.shape_cast %get3A_138 : vector<1x16xf32> to vector<16xf32>
          %get3A_140 = arith.index_cast %add3A_97 : i32 to index
          %get3A_141 = arith.constant 64 : index
          %get3A_142 = tpu.vector_load %arg11[%get3A_140, %get3A_141] {strides = array<i32>} : memref<96x256xf32, #tpu.memory_space<vmem>>, vector<1x16xf32>,
          %get3A_143 = vector.shape_cast %get3A_142 : vector<1x16xf32> to vector<16xf32>
          %mul3A_144 = arith.mulf %get3A_139, %get3A_143 : vector<16xf32>
          %get3A_145 = arith.index_cast %add3A_97 : i32 to index
          %get3A_146 = arith.constant 80 : index
          %get3A_147 = tpu.vector_load %arg9[%get3A_145, %get3A_146] {strides = array<i32>} : memref<96x256xf32, #tpu.memory_space<vmem>>, vector<1x16xf32>,
          %get3A_148 = vector.shape_cast %get3A_147 : vector<1x16xf32> to vector<16xf32>
          %get3A_149 = arith.index_cast %add3A_97 : i32 to index
          %get3A_150 = arith.constant 80 : index
          %get3A_151 = tpu.vector_load %arg11[%get3A_149, %get3A_150] {strides = array<i32>} : memref<96x256xf32, #tpu.memory_space<vmem>>, vector<1x16xf32>,
          %get3A_152 = vector.shape_cast %get3A_151 : vector<1x16xf32> to vector<16xf32>
          %mul3A_153 = arith.mulf %get3A_148, %get3A_152 : vector<16xf32>
          %add3A_154 = arith.addf %mul3A_144, %mul3A_153 : vector<16xf32>
          %get3A_155 = arith.index_cast %add3A_97 : i32 to index
          %get3A_156 = arith.constant 96 : index
          %get3A_157 = tpu.vector_load %arg9[%get3A_155, %get3A_156] {strides = array<i32>} : memref<96x256xf32, #tpu.memory_space<vmem>>, vector<1x16xf32>,
          %get3A_158 = vector.shape_cast %get3A_157 : vector<1x16xf32> to vector<16xf32>
          %get3A_159 = arith.index_cast %add3A_97 : i32 to index
          %get3A_160 = arith.constant 96 : index
          %get3A_161 = tpu.vector_load %arg11[%get3A_159, %get3A_160] {strides = array<i32>} : memref<96x256xf32, #tpu.memory_space<vmem>>, vector<1x16xf32>,
          %get3A_162 = vector.shape_cast %get3A_161 : vector<1x16xf32> to vector<16xf32>
          %mul3A_163 = arith.mulf %get3A_158, %get3A_162 : vector<16xf32>
          %add3A_164 = arith.addf %add3A_154, %mul3A_163 : vector<16xf32>
          %get3A_165 = arith.index_cast %add3A_97 : i32 to index
          %get3A_166 = arith.constant 112 : index
          %get3A_167 = tpu.vector_load %arg9[%get3A_165, %get3A_166] {strides = array<i32>} : memref<96x256xf32, #tpu.memory_space<vmem>>, vector<1x16xf32>,
          %get3A_168 = vector.shape_cast %get3A_167 : vector<1x16xf32> to vector<16xf32>
          %get3A_169 = arith.index_cast %add3A_97 : i32 to index
          %get3A_170 = arith.constant 112 : index
          %get3A_171 = tpu.vector_load %arg11[%get3A_169, %get3A_170] {strides = array<i32>} : memref<96x256xf32, #tpu.memory_space<vmem>>, vector<1x16xf32>,
          %get3A_172 = vector.shape_cast %get3A_171 : vector<1x16xf32> to vector<16xf32>
          %mul3A_173 = arith.mulf %get3A_168, %get3A_172 : vector<16xf32>
          %add3A_174 = arith.addf %add3A_164, %mul3A_173 : vector<16xf32>
          %get3A_175 = arith.index_cast %add3A_97 : i32 to index
          %get3A_176 = arith.constant 128 : index
          %get3A_177 = tpu.vector_load %arg9[%get3A_175, %get3A_176] {strides = array<i32>} : memref<96x256xf32, #tpu.memory_space<vmem>>, vector<1x16xf32>,
          %get3A_178 = vector.shape_cast %get3A_177 : vector<1x16xf32> to vector<16xf32>
          %get3A_179 = arith.index_cast %add3A_97 : i32 to index
          %get3A_180 = arith.constant 128 : index
          %get3A_181 = tpu.vector_load %arg11[%get3A_179, %get3A_180] {strides = array<i32>} : memref<96x256xf32, #tpu.memory_space<vmem>>, vector<1x16xf32>,
          %get3A_182 = vector.shape_cast %get3A_181 : vector<1x16xf32> to vector<16xf32>
          %mul3A_183 = arith.mulf %get3A_178, %get3A_182 : vector<16xf32>
          %get3A_184 = arith.index_cast %add3A_97 : i32 to index
          %get3A_185 = arith.constant 144 : index
          %get3A_186 = tpu.vector_load %arg9[%get3A_184, %get3A_185] {strides = array<i32>} : memref<96x256xf32, #tpu.memory_space<vmem>>, vector<1x16xf32>,
          %get3A_187 = vector.shape_cast %get3A_186 : vector<1x16xf32> to vector<16xf32>
          %get3A_188 = arith.index_cast %add3A_97 : i32 to index
          %get3A_189 = arith.constant 144 : index
          %get3A_190 = tpu.vector_load %arg11[%get3A_188, %get3A_189] {strides = array<i32>} : memref<96x256xf32, #tpu.memory_space<vmem>>, vector<1x16xf32>,
          %get3A_191 = vector.shape_cast %get3A_190 : vector<1x16xf32> to vector<16xf32>
          %mul3A_192 = arith.mulf %get3A_187, %get3A_191 : vector<16xf32>
          %add3A_193 = arith.addf %mul3A_183, %mul3A_192 : vector<16xf32>
          %get3A_194 = arith.index_cast %add3A_97 : i32 to index
          %get3A_195 = arith.constant 160 : index
          %get3A_196 = tpu.vector_load %arg9[%get3A_194, %get3A_195] {strides = array<i32>} : memref<96x256xf32, #tpu.memory_space<vmem>>, vector<1x16xf32>,
          %get3A_197 = vector.shape_cast %get3A_196 : vector<1x16xf32> to vector<16xf32>
          %get3A_198 = arith.index_cast %add3A_97 : i32 to index
          %get3A_199 = arith.constant 160 : index
          %get3A_200 = tpu.vector_load %arg11[%get3A_198, %get3A_199] {strides = array<i32>} : memref<96x256xf32, #tpu.memory_space<vmem>>, vector<1x16xf32>,
          %get3A_201 = vector.shape_cast %get3A_200 : vector<1x16xf32> to vector<16xf32>
          %mul3A_202 = arith.mulf %get3A_197, %get3A_201 : vector<16xf32>
          %add3A_203 = arith.addf %add3A_193, %mul3A_202 : vector<16xf32>
          %get3A_204 = arith.index_cast %add3A_97 : i32 to index
          %get3A_205 = arith.constant 176 : index
          %get3A_206 = tpu.vector_load %arg9[%get3A_204, %get3A_205] {strides = array<i32>} : memref<96x256xf32, #tpu.memory_space<vmem>>, vector<1x16xf32>,
          %get3A_207 = vector.shape_cast %get3A_206 : vector<1x16xf32> to vector<16xf32>
          %get3A_208 = arith.index_cast %add3A_97 : i32 to index
          %get3A_209 = arith.constant 176 : index
          %get3A_210 = tpu.vector_load %arg11[%get3A_208, %get3A_209] {strides = array<i32>} : memref<96x256xf32, #tpu.memory_space<vmem>>, vector<1x16xf32>,
          %get3A_211 = vector.shape_cast %get3A_210 : vector<1x16xf32> to vector<16xf32>
          %mul3A_212 = arith.mulf %get3A_207, %get3A_211 : vector<16xf32>
          %add3A_213 = arith.addf %add3A_203, %mul3A_212 : vector<16xf32>
          %get3A_214 = arith.index_cast %add3A_97 : i32 to index
          %get3A_215 = arith.constant 192 : index
          %get3A_216 = tpu.vector_load %arg9[%get3A_214, %get3A_215] {strides = array<i32>} : memref<96x256xf32, #tpu.memory_space<vmem>>, vector<1x16xf32>,
          %get3A_217 = vector.shape_cast %get3A_216 : vector<1x16xf32> to vector<16xf32>
          %get3A_218 = arith.index_cast %add3A_97 : i32 to index
          %get3A_219 = arith.constant 192 : index
          %get3A_220 = tpu.vector_load %arg11[%get3A_218, %get3A_219] {strides = array<i32>} : memref<96x256xf32, #tpu.memory_space<vmem>>, vector<1x16xf32>,
          %get3A_221 = vector.shape_cast %get3A_220 : vector<1x16xf32> to vector<16xf32>
          %mul3A_222 = arith.mulf %get3A_217, %get3A_221 : vector<16xf32>
          %get3A_223 = arith.index_cast %add3A_97 : i32 to index
          %get3A_224 = arith.constant 208 : index
          %get3A_225 = tpu.vector_load %arg9[%get3A_223, %get3A_224] {strides = array<i32>} : memref<96x256xf32, #tpu.memory_space<vmem>>, vector<1x16xf32>,
          %get3A_226 = vector.shape_cast %get3A_225 : vector<1x16xf32> to vector<16xf32>
          %get3A_227 = arith.index_cast %add3A_97 : i32 to index
          %get3A_228 = arith.constant 208 : index
          %get3A_229 = tpu.vector_load %arg11[%get3A_227, %get3A_228] {strides = array<i32>} : memref<96x256xf32, #tpu.memory_space<vmem>>, vector<1x16xf32>,
          %get3A_230 = vector.shape_cast %get3A_229 : vector<1x16xf32> to vector<16xf32>
          %mul3A_231 = arith.mulf %get3A_226, %get3A_230 : vector<16xf32>
          %add3A_232 = arith.addf %mul3A_222, %mul3A_231 : vector<16xf32>
          %get3A_233 = arith.index_cast %add3A_97 : i32 to index
          %get3A_234 = arith.constant 224 : index
          %get3A_235 = tpu.vector_load %arg9[%get3A_233, %get3A_234] {strides = array<i32>} : memref<96x256xf32, #tpu.memory_space<vmem>>, vector<1x16xf32>,
          %get3A_236 = vector.shape_cast %get3A_235 : vector<1x16xf32> to vector<16xf32>
          %get3A_237 = arith.index_cast %add3A_97 : i32 to index
          %get3A_238 = arith.constant 224 : index
          %get3A_239 = tpu.vector_load %arg11[%get3A_237, %get3A_238] {strides = array<i32>} : memref<96x256xf32, #tpu.memory_space<vmem>>, vector<1x16xf32>,
          %get3A_240 = vector.shape_cast %get3A_239 : vector<1x16xf32> to vector<16xf32>
          %mul3A_241 = arith.mulf %get3A_236, %get3A_240 : vector<16xf32>
          %add3A_242 = arith.addf %add3A_232, %mul3A_241 : vector<16xf32>
          %get3A_243 = arith.index_cast %add3A_97 : i32 to index
          %get3A_244 = arith.constant 240 : index
          %get3A_245 = tpu.vector_load %arg9[%get3A_243, %get3A_244] {strides = array<i32>} : memref<96x256xf32, #tpu.memory_space<vmem>>, vector<1x16xf32>,
          %get3A_246 = vector.shape_cast %get3A_245 : vector<1x16xf32> to vector<16xf32>
          %get3A_247 = arith.index_cast %add3A_97 : i32 to index
          %get3A_248 = arith.constant 240 : index
          %get3A_249 = tpu.vector_load %arg11[%get3A_247, %get3A_248] {strides = array<i32>} : memref<96x256xf32, #tpu.memory_space<vmem>>, vector<1x16xf32>,
          %get3A_250 = vector.shape_cast %get3A_249 : vector<1x16xf32> to vector<16xf32>
          %mul3A_251 = arith.mulf %get3A_246, %get3A_250 : vector<16xf32>
          %add3A_252 = arith.addf %add3A_242, %mul3A_251 : vector<16xf32>
          %add3A_253 = arith.addf %add3A_135, %add3A_174 : vector<16xf32>
          %add3A_254 = arith.addf %add3A_213, %add3A_252 : vector<16xf32>
          %add3A_255 = arith.addf %add3A_253, %add3A_254 : vector<16xf32>
          %add3A_256 = arith.constant 8 : i32
          %add3A_257 = vector.broadcast %add3A_256 : i32 to vector<16xi32>
          %add3A_258 = arith.addi %iota3A, %add3A_257 : vector<16xi32>
          %jit3A = arith.constant 16 : i32
          %eq3A_259 = arith.constant 0 : i32
          %eq3A_260 = arith.cmpi eq, %jit3A, %eq3A_259 : i32
          %jit3A_261 = arith.constant 1 : i32
          %select_n3A = arith.select %eq3A_260, %jit3A_261, %jit3A : i32
          %rem3A = vector.broadcast %select_n3A : i32 to vector<16xi32>
          %rem3A_262 = arith.remsi %add3A_258, %rem3A : vector<16xi32>
          %ne3A = arith.constant 0 : i32
          %ne3A_263 = vector.broadcast %ne3A : i32 to vector<16xi32>
          %ne3A_264 = arith.cmpi ne, %rem3A_262, %ne3A_263 : vector<16xi32>
          %lt3A_265 = arith.constant 0 : i32
          %lt3A_266 = vector.broadcast %lt3A_265 : i32 to vector<16xi32>
          %lt3A_267 = arith.cmpi slt, %rem3A_262, %lt3A_266 : vector<16xi32>
          %lt3A_268 = arith.constant 0 : i32
          %lt3A_269 = arith.cmpi slt, %select_n3A, %lt3A_268 : i32
          %ne3A_270 = vector.broadcast %lt3A_269 : i1 to vector<16xi1>
          %ne3A_271 = vector.broadcast %ne3A_270 : vector<16xi1> to vector<16xi1>
          %ne3A_272 = arith.xori %lt3A_267, %ne3A_271 : vector<16xi1>
          %and3A = arith.andi %ne3A_272, %ne3A_264 : vector<16xi1>
          %add3A_273 = vector.broadcast %select_n3A : i32 to vector<16xi32>
          %add3A_274 = arith.addi %rem3A_262, %add3A_273 : vector<16xi32>
          %select_n3A_275 = arith.select %and3A, %add3A_274, %rem3A_262 : vector<16xi1>, vector<16xi32>
          %lt3A_276 = arith.constant 0 : i32
          %lt3A_277 = vector.broadcast %lt3A_276 : i32 to vector<16xi32>
          %lt3A_278 = arith.cmpi slt, %select_n3A_275, %lt3A_277 : vector<16xi32>
          %add3A_279 = arith.constant 16 : i32
          %add3A_280 = vector.broadcast %add3A_279 : i32 to vector<16xi32>
          %add3A_281 = arith.addi %select_n3A_275, %add3A_280 : vector<16xi32>
          %select_n3A_282 = arith.select %lt3A_278, %add3A_281, %select_n3A_275 : vector<16xi1>, vector<16xi32>
          %broadcast_in_dim3A_283 = vector.shape_cast %select_n3A_282 : vector<16xi32> to vector<16x1xi32>
          %gather3A = vector.shape_cast %broadcast_in_dim3A_283 : vector<16x1xi32> to vector<16xi32>
          %gather3A_284 = tpu.dynamic_gather %add3A_255[%gather3A] in [0] : vector<16xf32>, vector<16xi32> -> vector<16xf32>
          %add3A_285 = arith.addf %add3A_255, %gather3A_284 : vector<16xf32>
          %add3A_286 = arith.constant 4 : i32
          %add3A_287 = vector.broadcast %add3A_286 : i32 to vector<16xi32>
          %add3A_288 = arith.addi %iota3A, %add3A_287 : vector<16xi32>
          %jit3A_289 = arith.constant 16 : i32
          %eq3A_290 = arith.constant 0 : i32
          %eq3A_291 = arith.cmpi eq, %jit3A_289, %eq3A_290 : i32
          %jit3A_292 = arith.constant 1 : i32
          %select_n3A_293 = arith.select %eq3A_291, %jit3A_292, %jit3A_289 : i32
          %rem3A_294 = vector.broadcast %select_n3A_293 : i32 to vector<16xi32>
          %rem3A_295 = arith.remsi %add3A_288, %rem3A_294 : vector<16xi32>
          %ne3A_296 = arith.constant 0 : i32
          %ne3A_297 = vector.broadcast %ne3A_296 : i32 to vector<16xi32>
          %ne3A_298 = arith.cmpi ne, %rem3A_295, %ne3A_297 : vector<16xi32>
          %lt3A_299 = arith.constant 0 : i32
          %lt3A_300 = vector.broadcast %lt3A_299 : i32 to vector<16xi32>
          %lt3A_301 = arith.cmpi slt, %rem3A_295, %lt3A_300 : vector<16xi32>
          %lt3A_302 = arith.constant 0 : i32
          %lt3A_303 = arith.cmpi slt, %select_n3A_293, %lt3A_302 : i32
          %ne3A_304 = vector.broadcast %lt3A_303 : i1 to vector<16xi1>
          %ne3A_305 = vector.broadcast %ne3A_304 : vector<16xi1> to vector<16xi1>
          %ne3A_306 = arith.xori %lt3A_301, %ne3A_305 : vector<16xi1>
          %and3A_307 = arith.andi %ne3A_306, %ne3A_298 : vector<16xi1>
          %add3A_308 = vector.broadcast %select_n3A_293 : i32 to vector<16xi32>
          %add3A_309 = arith.addi %rem3A_295, %add3A_308 : vector<16xi32>
          %select_n3A_310 = arith.select %and3A_307, %add3A_309, %rem3A_295 : vector<16xi1>, vector<16xi32>
          %lt3A_311 = arith.constant 0 : i32
          %lt3A_312 = vector.broadcast %lt3A_311 : i32 to vector<16xi32>
          %lt3A_313 = arith.cmpi slt, %select_n3A_310, %lt3A_312 : vector<16xi32>
          %add3A_314 = arith.constant 16 : i32
          %add3A_315 = vector.broadcast %add3A_314 : i32 to vector<16xi32>
          %add3A_316 = arith.addi %select_n3A_310, %add3A_315 : vector<16xi32>
          %select_n3A_317 = arith.select %lt3A_313, %add3A_316, %select_n3A_310 : vector<16xi1>, vector<16xi32>
          %broadcast_in_dim3A_318 = vector.shape_cast %select_n3A_317 : vector<16xi32> to vector<16x1xi32>
          %gather3A_319 = vector.shape_cast %broadcast_in_dim3A_318 : vector<16x1xi32> to vector<16xi32>
          %gather3A_320 = tpu.dynamic_gather %add3A_285[%gather3A_319] in [0] : vector<16xf32>, vector<16xi32> -> vector<16xf32>
          %add3A_321 = arith.addf %add3A_285, %gather3A_320 : vector<16xf32>
          %add3A_322 = arith.constant 2 : i32
          %add3A_323 = vector.broadcast %add3A_322 : i32 to vector<16xi32>
          %add3A_324 = arith.addi %iota3A, %add3A_323 : vector<16xi32>
          %jit3A_325 = arith.constant 16 : i32
          %eq3A_326 = arith.constant 0 : i32
          %eq3A_327 = arith.cmpi eq, %jit3A_325, %eq3A_326 : i32
          %jit3A_328 = arith.constant 1 : i32
          %select_n3A_329 = arith.select %eq3A_327, %jit3A_328, %jit3A_325 : i32
          %rem3A_330 = vector.broadcast %select_n3A_329 : i32 to vector<16xi32>
          %rem3A_331 = arith.remsi %add3A_324, %rem3A_330 : vector<16xi32>
          %ne3A_332 = arith.constant 0 : i32
          %ne3A_333 = vector.broadcast %ne3A_332 : i32 to vector<16xi32>
          %ne3A_334 = arith.cmpi ne, %rem3A_331, %ne3A_333 : vector<16xi32>
          %lt3A_335 = arith.constant 0 : i32
          %lt3A_336 = vector.broadcast %lt3A_335 : i32 to vector<16xi32>
          %lt3A_337 = arith.cmpi slt, %rem3A_331, %lt3A_336 : vector<16xi32>
          %lt3A_338 = arith.constant 0 : i32
          %lt3A_339 = arith.cmpi slt, %select_n3A_329, %lt3A_338 : i32
          %ne3A_340 = vector.broadcast %lt3A_339 : i1 to vector<16xi1>
          %ne3A_341 = vector.broadcast %ne3A_340 : vector<16xi1> to vector<16xi1>
          %ne3A_342 = arith.xori %lt3A_337, %ne3A_341 : vector<16xi1>
          %and3A_343 = arith.andi %ne3A_342, %ne3A_334 : vector<16xi1>
          %add3A_344 = vector.broadcast %select_n3A_329 : i32 to vector<16xi32>
          %add3A_345 = arith.addi %rem3A_331, %add3A_344 : vector<16xi32>
          %select_n3A_346 = arith.select %and3A_343, %add3A_345, %rem3A_331 : vector<16xi1>, vector<16xi32>
          %lt3A_347 = arith.constant 0 : i32
          %lt3A_348 = vector.broadcast %lt3A_347 : i32 to vector<16xi32>
          %lt3A_349 = arith.cmpi slt, %select_n3A_346, %lt3A_348 : vector<16xi32>
          %add3A_350 = arith.constant 16 : i32
          %add3A_351 = vector.broadcast %add3A_350 : i32 to vector<16xi32>
          %add3A_352 = arith.addi %select_n3A_346, %add3A_351 : vector<16xi32>
          %select_n3A_353 = arith.select %lt3A_349, %add3A_352, %select_n3A_346 : vector<16xi1>, vector<16xi32>
          %broadcast_in_dim3A_354 = vector.shape_cast %select_n3A_353 : vector<16xi32> to vector<16x1xi32>
          %gather3A_355 = vector.shape_cast %broadcast_in_dim3A_354 : vector<16x1xi32> to vector<16xi32>
          %gather3A_356 = tpu.dynamic_gather %add3A_321[%gather3A_355] in [0] : vector<16xf32>, vector<16xi32> -> vector<16xf32>
          %add3A_357 = arith.addf %add3A_321, %gather3A_356 : vector<16xf32>
          %add3A_358 = arith.constant 1 : i32
          %add3A_359 = vector.broadcast %add3A_358 : i32 to vector<16xi32>
          %add3A_360 = arith.addi %iota3A, %add3A_359 : vector<16xi32>
          %jit3A_361 = arith.constant 16 : i32
          %eq3A_362 = arith.constant 0 : i32
          %eq3A_363 = arith.cmpi eq, %jit3A_361, %eq3A_362 : i32
          %jit3A_364 = arith.constant 1 : i32
          %select_n3A_365 = arith.select %eq3A_363, %jit3A_364, %jit3A_361 : i32
          %rem3A_366 = vector.broadcast %select_n3A_365 : i32 to vector<16xi32>
          %rem3A_367 = arith.remsi %add3A_360, %rem3A_366 : vector<16xi32>
          %ne3A_368 = arith.constant 0 : i32
          %ne3A_369 = vector.broadcast %ne3A_368 : i32 to vector<16xi32>
          %ne3A_370 = arith.cmpi ne, %rem3A_367, %ne3A_369 : vector<16xi32>
          %lt3A_371 = arith.constant 0 : i32
          %lt3A_372 = vector.broadcast %lt3A_371 : i32 to vector<16xi32>
          %lt3A_373 = arith.cmpi slt, %rem3A_367, %lt3A_372 : vector<16xi32>
          %lt3A_374 = arith.constant 0 : i32
          %lt3A_375 = arith.cmpi slt, %select_n3A_365, %lt3A_374 : i32
          %ne3A_376 = vector.broadcast %lt3A_375 : i1 to vector<16xi1>
          %ne3A_377 = vector.broadcast %ne3A_376 : vector<16xi1> to vector<16xi1>
          %ne3A_378 = arith.xori %lt3A_373, %ne3A_377 : vector<16xi1>
          %and3A_379 = arith.andi %ne3A_378, %ne3A_370 : vector<16xi1>
          %add3A_380 = vector.broadcast %select_n3A_365 : i32 to vector<16xi32>
          %add3A_381 = arith.addi %rem3A_367, %add3A_380 : vector<16xi32>
          %select_n3A_382 = arith.select %and3A_379, %add3A_381, %rem3A_367 : vector<16xi1>, vector<16xi32>
          %lt3A_383 = arith.constant 0 : i32
          %lt3A_384 = vector.broadcast %lt3A_383 : i32 to vector<16xi32>
          %lt3A_385 = arith.cmpi slt, %select_n3A_382, %lt3A_384 : vector<16xi32>
          %add3A_386 = arith.constant 16 : i32
          %add3A_387 = vector.broadcast %add3A_386 : i32 to vector<16xi32>
          %add3A_388 = arith.addi %select_n3A_382, %add3A_387 : vector<16xi32>
          %select_n3A_389 = arith.select %lt3A_385, %add3A_388, %select_n3A_382 : vector<16xi1>, vector<16xi32>
          %broadcast_in_dim3A_390 = vector.shape_cast %select_n3A_389 : vector<16xi32> to vector<16x1xi32>
          %gather3A_391 = vector.shape_cast %broadcast_in_dim3A_390 : vector<16x1xi32> to vector<16xi32>
          %gather3A_392 = tpu.dynamic_gather %add3A_357[%gather3A_391] in [0] : vector<16xf32>, vector<16xi32> -> vector<16xf32>
          %add3A_393 = arith.addf %add3A_357, %gather3A_392 : vector<16xf32>
          %select_n3A_394 = arith.select %eq3A_96, %add3A_393, %scan3A_95 : vector<16xi1>, vector<16xf32>
          scf.yield %select_n3A_394 : vector<16xf32>
        }
        %scan3A_80 = arith.constant 16 : i32
        %neg3A = arith.constant 0.000000e+00 : f32
        %neg3A_81 = vector.broadcast %neg3A : f32 to vector<16xf32>
        %neg3A_82 = arith.subf %neg3A_81, %scan3A_79 : vector<16xf32>
        %exp3A = math.exp %neg3A_82 : vector<16xf32>
        %add3A_83 = arith.constant 1.000000e+00 : f32
        %add3A_84 = vector.broadcast %add3A_83 : f32 to vector<16xf32>
        %add3A_85 = arith.addf %add3A_84, %exp3A : vector<16xf32>
        %div3A = arith.constant 1.000000e+00 : f32
        %div3A_86 = vector.broadcast %div3A : f32 to vector<16xf32>
        %div3A_87 = arith.divf %div3A_86, %add3A_85 : vector<16xf32>
        %mul3A_88 = arith.constant 96 : i32
        %mul3A_89 = arith.muli %mul3A_19, %mul3A_88 : i32
        %add3A_90 = arith.addi %mul3A_89, %mul3A_73 : i32
        %swap3A = arith.index_cast %add3A_90 : i32 to index
        %swap3A_91 = tpu.vector_load %arg13[%swap3A] {strides = array<i32>} : memref<9408xf32, #tpu.memory_space<vmem>>, vector<16xf32>,
        %swap3A_92 = vector.shape_cast %swap3A_91 : vector<16xf32> to vector<16xf32>
        %swap3A_93 = vector.shape_cast %div3A_87 : vector<16xf32> to vector<16xf32>
        tpu.vector_store %arg13[%swap3A], %swap3A_93 {strides = array<i32>} : memref<9408xf32, #tpu.memory_space<vmem>>, vector<16xf32>,
      }
      %scan3A_48 = arith.constant 6 : i32
      %add3A_49 = arith.constant 1 : i32
      %add3A_50 = arith.addi %add3A_21, %add3A_49 : i32
      %lt3A = arith.constant 98 : i32
      %lt3A_51 = arith.cmpi slt, %add3A_50, %lt3A : i32
      %convert_element_type3A = arith.extui %lt3A_51 : i1 to i32
      %cond3A = arith.constant 0 : i32
      %cond3A_52 = arith.cmpi ne, %convert_element_type3A, %cond3A : i32
      scf.if %cond3A_52 {
        %add3A_71 = arith.constant 1 : i32
        %add3A_72 = arith.addi %add3A_21, %add3A_71 : i32
        %mul3A_73 = arith.constant 96 : i32
        %mul3A_74 = arith.muli %add3A_72, %mul3A_73 : i32
        %dma_start3A_75 = tpu.memref_slice %arg7[%mul3A_74] : memref<9408xi32, #tpu.memory_space<vmem>> -> memref<96xi32, #tpu.memory_space<vmem>>
        %dma_start3A_76 = arith.constant 0 : i32
        %dma_start3A_77 = arith.constant 0 : i32
        %dma_start3A_78 = tpu.memref_slice %arg2[%dma_start3A_76, %dma_start3A_77] : memref<50000x256xf32, #tpu.memory_space<hbm>> -> memref<50000x256xf32, #tpu.memory_space<hbm>>
        tpu.enqueue_indirect_dma source(%dma_start3A_78 : memref<50000x256xf32, #tpu.memory_space<hbm>>) target(%arg9 : memref<96x256xf32, #tpu.memory_space<vmem>>) offsets(%dma_start3A_75 : memref<96xi32, #tpu.memory_space<vmem>>) semaphore(%arg14 : memref<!tpu.dma_semaphore, #tpu.memory_space<semaphore_mem>>)
        %dma_start3A_79 = tpu.memref_slice %arg8[%mul3A_74] : memref<9408xi32, #tpu.memory_space<vmem>> -> memref<96xi32, #tpu.memory_space<vmem>>
        %dma_start3A_80 = arith.constant 0 : i32
        %dma_start3A_81 = arith.constant 0 : i32
        %dma_start3A_82 = tpu.memref_slice %arg3[%dma_start3A_80, %dma_start3A_81] : memref<50000x256xf32, #tpu.memory_space<hbm>> -> memref<50000x256xf32, #tpu.memory_space<hbm>>
        tpu.enqueue_indirect_dma source(%dma_start3A_82 : memref<50000x256xf32, #tpu.memory_space<hbm>>) target(%arg11 : memref<96x256xf32, #tpu.memory_space<vmem>>) offsets(%dma_start3A_79 : memref<96xi32, #tpu.memory_space<vmem>>) semaphore(%arg16 : memref<!tpu.dma_semaphore, #tpu.memory_space<semaphore_mem>>)
      } else {
      }
      %dma_wait3A_53 = arith.constant 0 : i32
      %dma_wait3A_54 = arith.constant 0 : i32
      %dma_wait3A_55 = tpu.memref_slice %arg2[%dma_wait3A_53, %dma_wait3A_54] : memref<50000x256xf32, #tpu.memory_space<hbm>> -> memref<96x256xf32, #tpu.memory_space<hbm>>
      %dma_wait3A_56 = arith.constant 0 : i32
      %dma_wait3A_57 = arith.constant 0 : i32
      %dma_wait3A_58 = tpu.memref_slice %arg2[%dma_wait3A_56, %dma_wait3A_57] : memref<50000x256xf32, #tpu.memory_space<hbm>> -> memref<96x256xf32, #tpu.memory_space<hbm>>
      tpu.wait_dma2 semaphore(%arg15 : memref<!tpu.dma_semaphore, #tpu.memory_space<semaphore_mem>>) src(%dma_wait3A_58 : memref<96x256xf32, #tpu.memory_space<hbm>>) dst(%arg10 : memref<96x256xf32, #tpu.memory_space<vmem>>)
      %dma_wait3A_59 = arith.constant 0 : i32
      %dma_wait3A_60 = arith.constant 0 : i32
      %dma_wait3A_61 = tpu.memref_slice %arg3[%dma_wait3A_59, %dma_wait3A_60] : memref<50000x256xf32, #tpu.memory_space<hbm>> -> memref<96x256xf32, #tpu.memory_space<hbm>>
      %dma_wait3A_62 = arith.constant 0 : i32
      %dma_wait3A_63 = arith.constant 0 : i32
      %dma_wait3A_64 = tpu.memref_slice %arg3[%dma_wait3A_62, %dma_wait3A_63] : memref<50000x256xf32, #tpu.memory_space<hbm>> -> memref<96x256xf32, #tpu.memory_space<hbm>>
      tpu.wait_dma2 semaphore(%arg17 : memref<!tpu.dma_semaphore, #tpu.memory_space<semaphore_mem>>) src(%dma_wait3A_64 : memref<96x256xf32, #tpu.memory_space<hbm>>) dst(%arg12 : memref<96x256xf32, #tpu.memory_space<vmem>>)
      %scan3A_65 = arith.constant 0 : i32
      %scan3A_66 = arith.constant 0 : i32
      %scan3A_67 = arith.constant 6 : i32
      %scan3A_68 = arith.addi %scan3A_66, %scan3A_67 : i32
      %scan3A_69 = arith.constant 1 : i32
      scf.for %scan3A_71 = %scan3A_66 to %scan3A_68 step %scan3A_69  : i32 {
        %mul3A_72 = arith.constant 16 : i32
        %mul3A_73 = arith.muli %scan3A_71, %mul3A_72 : i32
        %broadcast_in_dim3A = arith.constant 0.000000e+00 : f32
        %broadcast_in_dim3A_74 = vector.broadcast %broadcast_in_dim3A : f32 to vector<16xf32>
        %scan3A_75 = arith.constant 0 : i32
        %scan3A_76 = arith.constant 16 : i32
        %scan3A_77 = arith.addi %scan3A_75, %scan3A_76 : i32
        %scan3A_78 = arith.constant 1 : i32
        %scan3A_79 = scf.for %scan3A_94 = %scan3A_75 to %scan3A_77 step %scan3A_78 iter_args(%scan3A_95 = %broadcast_in_dim3A_74) -> (vector<16xf32>)  : i32 {
          %eq3A = vector.broadcast %scan3A_94 : i32 to vector<16xi32>
          %eq3A_96 = arith.cmpi eq, %iota3A, %eq3A : vector<16xi32>
          %add3A_97 = arith.addi %mul3A_73, %scan3A_94 : i32
          %get3A = arith.index_cast %add3A_97 : i32 to index
          %get3A_98 = arith.constant 0 : index
          %get3A_99 = tpu.vector_load %arg10[%get3A, %get3A_98] {strides = array<i32>} : memref<96x256xf32, #tpu.memory_space<vmem>>, vector<1x16xf32>,
          %get3A_100 = vector.shape_cast %get3A_99 : vector<1x16xf32> to vector<16xf32>
          %get3A_101 = arith.index_cast %add3A_97 : i32 to index
          %get3A_102 = arith.constant 0 : index
          %get3A_103 = tpu.vector_load %arg12[%get3A_101, %get3A_102] {strides = array<i32>} : memref<96x256xf32, #tpu.memory_space<vmem>>, vector<1x16xf32>,
          %get3A_104 = vector.shape_cast %get3A_103 : vector<1x16xf32> to vector<16xf32>
          %mul3A_105 = arith.mulf %get3A_100, %get3A_104 : vector<16xf32>
          %get3A_106 = arith.index_cast %add3A_97 : i32 to index
          %get3A_107 = arith.constant 16 : index
          %get3A_108 = tpu.vector_load %arg10[%get3A_106, %get3A_107] {strides = array<i32>} : memref<96x256xf32, #tpu.memory_space<vmem>>, vector<1x16xf32>,
          %get3A_109 = vector.shape_cast %get3A_108 : vector<1x16xf32> to vector<16xf32>
          %get3A_110 = arith.index_cast %add3A_97 : i32 to index
          %get3A_111 = arith.constant 16 : index
          %get3A_112 = tpu.vector_load %arg12[%get3A_110, %get3A_111] {strides = array<i32>} : memref<96x256xf32, #tpu.memory_space<vmem>>, vector<1x16xf32>,
          %get3A_113 = vector.shape_cast %get3A_112 : vector<1x16xf32> to vector<16xf32>
          %mul3A_114 = arith.mulf %get3A_109, %get3A_113 : vector<16xf32>
          %add3A_115 = arith.addf %mul3A_105, %mul3A_114 : vector<16xf32>
          %get3A_116 = arith.index_cast %add3A_97 : i32 to index
          %get3A_117 = arith.constant 32 : index
          %get3A_118 = tpu.vector_load %arg10[%get3A_116, %get3A_117] {strides = array<i32>} : memref<96x256xf32, #tpu.memory_space<vmem>>, vector<1x16xf32>,
          %get3A_119 = vector.shape_cast %get3A_118 : vector<1x16xf32> to vector<16xf32>
          %get3A_120 = arith.index_cast %add3A_97 : i32 to index
          %get3A_121 = arith.constant 32 : index
          %get3A_122 = tpu.vector_load %arg12[%get3A_120, %get3A_121] {strides = array<i32>} : memref<96x256xf32, #tpu.memory_space<vmem>>, vector<1x16xf32>,
          %get3A_123 = vector.shape_cast %get3A_122 : vector<1x16xf32> to vector<16xf32>
          %mul3A_124 = arith.mulf %get3A_119, %get3A_123 : vector<16xf32>
          %add3A_125 = arith.addf %add3A_115, %mul3A_124 : vector<16xf32>
          %get3A_126 = arith.index_cast %add3A_97 : i32 to index
          %get3A_127 = arith.constant 48 : index
          %get3A_128 = tpu.vector_load %arg10[%get3A_126, %get3A_127] {strides = array<i32>} : memref<96x256xf32, #tpu.memory_space<vmem>>, vector<1x16xf32>,
          %get3A_129 = vector.shape_cast %get3A_128 : vector<1x16xf32> to vector<16xf32>
          %get3A_130 = arith.index_cast %add3A_97 : i32 to index
          %get3A_131 = arith.constant 48 : index
          %get3A_132 = tpu.vector_load %arg12[%get3A_130, %get3A_131] {strides = array<i32>} : memref<96x256xf32, #tpu.memory_space<vmem>>, vector<1x16xf32>,
          %get3A_133 = vector.shape_cast %get3A_132 : vector<1x16xf32> to vector<16xf32>
          %mul3A_134 = arith.mulf %get3A_129, %get3A_133 : vector<16xf32>
          %add3A_135 = arith.addf %add3A_125, %mul3A_134 : vector<16xf32>
          %get3A_136 = arith.index_cast %add3A_97 : i32 to index
          %get3A_137 = arith.constant 64 : index
          %get3A_138 = tpu.vector_load %arg10[%get3A_136, %get3A_137] {strides = array<i32>} : memref<96x256xf32, #tpu.memory_space<vmem>>, vector<1x16xf32>,
          %get3A_139 = vector.shape_cast %get3A_138 : vector<1x16xf32> to vector<16xf32>
          %get3A_140 = arith.index_cast %add3A_97 : i32 to index
          %get3A_141 = arith.constant 64 : index
          %get3A_142 = tpu.vector_load %arg12[%get3A_140, %get3A_141] {strides = array<i32>} : memref<96x256xf32, #tpu.memory_space<vmem>>, vector<1x16xf32>,
          %get3A_143 = vector.shape_cast %get3A_142 : vector<1x16xf32> to vector<16xf32>
          %mul3A_144 = arith.mulf %get3A_139, %get3A_143 : vector<16xf32>
          %get3A_145 = arith.index_cast %add3A_97 : i32 to index
          %get3A_146 = arith.constant 80 : index
          %get3A_147 = tpu.vector_load %arg10[%get3A_145, %get3A_146] {strides = array<i32>} : memref<96x256xf32, #tpu.memory_space<vmem>>, vector<1x16xf32>,
          %get3A_148 = vector.shape_cast %get3A_147 : vector<1x16xf32> to vector<16xf32>
          %get3A_149 = arith.index_cast %add3A_97 : i32 to index
          %get3A_150 = arith.constant 80 : index
          %get3A_151 = tpu.vector_load %arg12[%get3A_149, %get3A_150] {strides = array<i32>} : memref<96x256xf32, #tpu.memory_space<vmem>>, vector<1x16xf32>,
          %get3A_152 = vector.shape_cast %get3A_151 : vector<1x16xf32> to vector<16xf32>
          %mul3A_153 = arith.mulf %get3A_148, %get3A_152 : vector<16xf32>
          %add3A_154 = arith.addf %mul3A_144, %mul3A_153 : vector<16xf32>
          %get3A_155 = arith.index_cast %add3A_97 : i32 to index
          %get3A_156 = arith.constant 96 : index
          %get3A_157 = tpu.vector_load %arg10[%get3A_155, %get3A_156] {strides = array<i32>} : memref<96x256xf32, #tpu.memory_space<vmem>>, vector<1x16xf32>,
          %get3A_158 = vector.shape_cast %get3A_157 : vector<1x16xf32> to vector<16xf32>
          %get3A_159 = arith.index_cast %add3A_97 : i32 to index
          %get3A_160 = arith.constant 96 : index
          %get3A_161 = tpu.vector_load %arg12[%get3A_159, %get3A_160] {strides = array<i32>} : memref<96x256xf32, #tpu.memory_space<vmem>>, vector<1x16xf32>,
          %get3A_162 = vector.shape_cast %get3A_161 : vector<1x16xf32> to vector<16xf32>
          %mul3A_163 = arith.mulf %get3A_158, %get3A_162 : vector<16xf32>
          %add3A_164 = arith.addf %add3A_154, %mul3A_163 : vector<16xf32>
          %get3A_165 = arith.index_cast %add3A_97 : i32 to index
          %get3A_166 = arith.constant 112 : index
          %get3A_167 = tpu.vector_load %arg10[%get3A_165, %get3A_166] {strides = array<i32>} : memref<96x256xf32, #tpu.memory_space<vmem>>, vector<1x16xf32>,
          %get3A_168 = vector.shape_cast %get3A_167 : vector<1x16xf32> to vector<16xf32>
          %get3A_169 = arith.index_cast %add3A_97 : i32 to index
          %get3A_170 = arith.constant 112 : index
          %get3A_171 = tpu.vector_load %arg12[%get3A_169, %get3A_170] {strides = array<i32>} : memref<96x256xf32, #tpu.memory_space<vmem>>, vector<1x16xf32>,
          %get3A_172 = vector.shape_cast %get3A_171 : vector<1x16xf32> to vector<16xf32>
          %mul3A_173 = arith.mulf %get3A_168, %get3A_172 : vector<16xf32>
          %add3A_174 = arith.addf %add3A_164, %mul3A_173 : vector<16xf32>
          %get3A_175 = arith.index_cast %add3A_97 : i32 to index
          %get3A_176 = arith.constant 128 : index
          %get3A_177 = tpu.vector_load %arg10[%get3A_175, %get3A_176] {strides = array<i32>} : memref<96x256xf32, #tpu.memory_space<vmem>>, vector<1x16xf32>,
          %get3A_178 = vector.shape_cast %get3A_177 : vector<1x16xf32> to vector<16xf32>
          %get3A_179 = arith.index_cast %add3A_97 : i32 to index
          %get3A_180 = arith.constant 128 : index
          %get3A_181 = tpu.vector_load %arg12[%get3A_179, %get3A_180] {strides = array<i32>} : memref<96x256xf32, #tpu.memory_space<vmem>>, vector<1x16xf32>,
          %get3A_182 = vector.shape_cast %get3A_181 : vector<1x16xf32> to vector<16xf32>
          %mul3A_183 = arith.mulf %get3A_178, %get3A_182 : vector<16xf32>
          %get3A_184 = arith.index_cast %add3A_97 : i32 to index
          %get3A_185 = arith.constant 144 : index
          %get3A_186 = tpu.vector_load %arg10[%get3A_184, %get3A_185] {strides = array<i32>} : memref<96x256xf32, #tpu.memory_space<vmem>>, vector<1x16xf32>,
          %get3A_187 = vector.shape_cast %get3A_186 : vector<1x16xf32> to vector<16xf32>
          %get3A_188 = arith.index_cast %add3A_97 : i32 to index
          %get3A_189 = arith.constant 144 : index
          %get3A_190 = tpu.vector_load %arg12[%get3A_188, %get3A_189] {strides = array<i32>} : memref<96x256xf32, #tpu.memory_space<vmem>>, vector<1x16xf32>,
          %get3A_191 = vector.shape_cast %get3A_190 : vector<1x16xf32> to vector<16xf32>
          %mul3A_192 = arith.mulf %get3A_187, %get3A_191 : vector<16xf32>
          %add3A_193 = arith.addf %mul3A_183, %mul3A_192 : vector<16xf32>
          %get3A_194 = arith.index_cast %add3A_97 : i32 to index
          %get3A_195 = arith.constant 160 : index
          %get3A_196 = tpu.vector_load %arg10[%get3A_194, %get3A_195] {strides = array<i32>} : memref<96x256xf32, #tpu.memory_space<vmem>>, vector<1x16xf32>,
          %get3A_197 = vector.shape_cast %get3A_196 : vector<1x16xf32> to vector<16xf32>
          %get3A_198 = arith.index_cast %add3A_97 : i32 to index
          %get3A_199 = arith.constant 160 : index
          %get3A_200 = tpu.vector_load %arg12[%get3A_198, %get3A_199] {strides = array<i32>} : memref<96x256xf32, #tpu.memory_space<vmem>>, vector<1x16xf32>,
          %get3A_201 = vector.shape_cast %get3A_200 : vector<1x16xf32> to vector<16xf32>
          %mul3A_202 = arith.mulf %get3A_197, %get3A_201 : vector<16xf32>
          %add3A_203 = arith.addf %add3A_193, %mul3A_202 : vector<16xf32>
          %get3A_204 = arith.index_cast %add3A_97 : i32 to index
          %get3A_205 = arith.constant 176 : index
          %get3A_206 = tpu.vector_load %arg10[%get3A_204, %get3A_205] {strides = array<i32>} : memref<96x256xf32, #tpu.memory_space<vmem>>, vector<1x16xf32>,
          %get3A_207 = vector.shape_cast %get3A_206 : vector<1x16xf32> to vector<16xf32>
          %get3A_208 = arith.index_cast %add3A_97 : i32 to index
          %get3A_209 = arith.constant 176 : index
          %get3A_210 = tpu.vector_load %arg12[%get3A_208, %get3A_209] {strides = array<i32>} : memref<96x256xf32, #tpu.memory_space<vmem>>, vector<1x16xf32>,
          %get3A_211 = vector.shape_cast %get3A_210 : vector<1x16xf32> to vector<16xf32>
          %mul3A_212 = arith.mulf %get3A_207, %get3A_211 : vector<16xf32>
          %add3A_213 = arith.addf %add3A_203, %mul3A_212 : vector<16xf32>
          %get3A_214 = arith.index_cast %add3A_97 : i32 to index
          %get3A_215 = arith.constant 192 : index
          %get3A_216 = tpu.vector_load %arg10[%get3A_214, %get3A_215] {strides = array<i32>} : memref<96x256xf32, #tpu.memory_space<vmem>>, vector<1x16xf32>,
          %get3A_217 = vector.shape_cast %get3A_216 : vector<1x16xf32> to vector<16xf32>
          %get3A_218 = arith.index_cast %add3A_97 : i32 to index
          %get3A_219 = arith.constant 192 : index
          %get3A_220 = tpu.vector_load %arg12[%get3A_218, %get3A_219] {strides = array<i32>} : memref<96x256xf32, #tpu.memory_space<vmem>>, vector<1x16xf32>,
          %get3A_221 = vector.shape_cast %get3A_220 : vector<1x16xf32> to vector<16xf32>
          %mul3A_222 = arith.mulf %get3A_217, %get3A_221 : vector<16xf32>
          %get3A_223 = arith.index_cast %add3A_97 : i32 to index
          %get3A_224 = arith.constant 208 : index
          %get3A_225 = tpu.vector_load %arg10[%get3A_223, %get3A_224] {strides = array<i32>} : memref<96x256xf32, #tpu.memory_space<vmem>>, vector<1x16xf32>,
          %get3A_226 = vector.shape_cast %get3A_225 : vector<1x16xf32> to vector<16xf32>
          %get3A_227 = arith.index_cast %add3A_97 : i32 to index
          %get3A_228 = arith.constant 208 : index
          %get3A_229 = tpu.vector_load %arg12[%get3A_227, %get3A_228] {strides = array<i32>} : memref<96x256xf32, #tpu.memory_space<vmem>>, vector<1x16xf32>,
          %get3A_230 = vector.shape_cast %get3A_229 : vector<1x16xf32> to vector<16xf32>
          %mul3A_231 = arith.mulf %get3A_226, %get3A_230 : vector<16xf32>
          %add3A_232 = arith.addf %mul3A_222, %mul3A_231 : vector<16xf32>
          %get3A_233 = arith.index_cast %add3A_97 : i32 to index
          %get3A_234 = arith.constant 224 : index
          %get3A_235 = tpu.vector_load %arg10[%get3A_233, %get3A_234] {strides = array<i32>} : memref<96x256xf32, #tpu.memory_space<vmem>>, vector<1x16xf32>,
          %get3A_236 = vector.shape_cast %get3A_235 : vector<1x16xf32> to vector<16xf32>
          %get3A_237 = arith.index_cast %add3A_97 : i32 to index
          %get3A_238 = arith.constant 224 : index
          %get3A_239 = tpu.vector_load %arg12[%get3A_237, %get3A_238] {strides = array<i32>} : memref<96x256xf32, #tpu.memory_space<vmem>>, vector<1x16xf32>,
          %get3A_240 = vector.shape_cast %get3A_239 : vector<1x16xf32> to vector<16xf32>
          %mul3A_241 = arith.mulf %get3A_236, %get3A_240 : vector<16xf32>
          %add3A_242 = arith.addf %add3A_232, %mul3A_241 : vector<16xf32>
          %get3A_243 = arith.index_cast %add3A_97 : i32 to index
          %get3A_244 = arith.constant 240 : index
          %get3A_245 = tpu.vector_load %arg10[%get3A_243, %get3A_244] {strides = array<i32>} : memref<96x256xf32, #tpu.memory_space<vmem>>, vector<1x16xf32>,
          %get3A_246 = vector.shape_cast %get3A_245 : vector<1x16xf32> to vector<16xf32>
          %get3A_247 = arith.index_cast %add3A_97 : i32 to index
          %get3A_248 = arith.constant 240 : index
          %get3A_249 = tpu.vector_load %arg12[%get3A_247, %get3A_248] {strides = array<i32>} : memref<96x256xf32, #tpu.memory_space<vmem>>, vector<1x16xf32>,
          %get3A_250 = vector.shape_cast %get3A_249 : vector<1x16xf32> to vector<16xf32>
          %mul3A_251 = arith.mulf %get3A_246, %get3A_250 : vector<16xf32>
          %add3A_252 = arith.addf %add3A_242, %mul3A_251 : vector<16xf32>
          %add3A_253 = arith.addf %add3A_135, %add3A_174 : vector<16xf32>
          %add3A_254 = arith.addf %add3A_213, %add3A_252 : vector<16xf32>
          %add3A_255 = arith.addf %add3A_253, %add3A_254 : vector<16xf32>
          %add3A_256 = arith.constant 8 : i32
          %add3A_257 = vector.broadcast %add3A_256 : i32 to vector<16xi32>
          %add3A_258 = arith.addi %iota3A, %add3A_257 : vector<16xi32>
          %jit3A = arith.constant 16 : i32
          %eq3A_259 = arith.constant 0 : i32
          %eq3A_260 = arith.cmpi eq, %jit3A, %eq3A_259 : i32
          %jit3A_261 = arith.constant 1 : i32
          %select_n3A = arith.select %eq3A_260, %jit3A_261, %jit3A : i32
          %rem3A = vector.broadcast %select_n3A : i32 to vector<16xi32>
          %rem3A_262 = arith.remsi %add3A_258, %rem3A : vector<16xi32>
          %ne3A = arith.constant 0 : i32
          %ne3A_263 = vector.broadcast %ne3A : i32 to vector<16xi32>
          %ne3A_264 = arith.cmpi ne, %rem3A_262, %ne3A_263 : vector<16xi32>
          %lt3A_265 = arith.constant 0 : i32
          %lt3A_266 = vector.broadcast %lt3A_265 : i32 to vector<16xi32>
          %lt3A_267 = arith.cmpi slt, %rem3A_262, %lt3A_266 : vector<16xi32>
          %lt3A_268 = arith.constant 0 : i32
          %lt3A_269 = arith.cmpi slt, %select_n3A, %lt3A_268 : i32
          %ne3A_270 = vector.broadcast %lt3A_269 : i1 to vector<16xi1>
          %ne3A_271 = vector.broadcast %ne3A_270 : vector<16xi1> to vector<16xi1>
          %ne3A_272 = arith.xori %lt3A_267, %ne3A_271 : vector<16xi1>
          %and3A = arith.andi %ne3A_272, %ne3A_264 : vector<16xi1>
          %add3A_273 = vector.broadcast %select_n3A : i32 to vector<16xi32>
          %add3A_274 = arith.addi %rem3A_262, %add3A_273 : vector<16xi32>
          %select_n3A_275 = arith.select %and3A, %add3A_274, %rem3A_262 : vector<16xi1>, vector<16xi32>
          %lt3A_276 = arith.constant 0 : i32
          %lt3A_277 = vector.broadcast %lt3A_276 : i32 to vector<16xi32>
          %lt3A_278 = arith.cmpi slt, %select_n3A_275, %lt3A_277 : vector<16xi32>
          %add3A_279 = arith.constant 16 : i32
          %add3A_280 = vector.broadcast %add3A_279 : i32 to vector<16xi32>
          %add3A_281 = arith.addi %select_n3A_275, %add3A_280 : vector<16xi32>
          %select_n3A_282 = arith.select %lt3A_278, %add3A_281, %select_n3A_275 : vector<16xi1>, vector<16xi32>
          %broadcast_in_dim3A_283 = vector.shape_cast %select_n3A_282 : vector<16xi32> to vector<16x1xi32>
          %gather3A = vector.shape_cast %broadcast_in_dim3A_283 : vector<16x1xi32> to vector<16xi32>
          %gather3A_284 = tpu.dynamic_gather %add3A_255[%gather3A] in [0] : vector<16xf32>, vector<16xi32> -> vector<16xf32>
          %add3A_285 = arith.addf %add3A_255, %gather3A_284 : vector<16xf32>
          %add3A_286 = arith.constant 4 : i32
          %add3A_287 = vector.broadcast %add3A_286 : i32 to vector<16xi32>
          %add3A_288 = arith.addi %iota3A, %add3A_287 : vector<16xi32>
          %jit3A_289 = arith.constant 16 : i32
          %eq3A_290 = arith.constant 0 : i32
          %eq3A_291 = arith.cmpi eq, %jit3A_289, %eq3A_290 : i32
          %jit3A_292 = arith.constant 1 : i32
          %select_n3A_293 = arith.select %eq3A_291, %jit3A_292, %jit3A_289 : i32
          %rem3A_294 = vector.broadcast %select_n3A_293 : i32 to vector<16xi32>
          %rem3A_295 = arith.remsi %add3A_288, %rem3A_294 : vector<16xi32>
          %ne3A_296 = arith.constant 0 : i32
          %ne3A_297 = vector.broadcast %ne3A_296 : i32 to vector<16xi32>
          %ne3A_298 = arith.cmpi ne, %rem3A_295, %ne3A_297 : vector<16xi32>
          %lt3A_299 = arith.constant 0 : i32
          %lt3A_300 = vector.broadcast %lt3A_299 : i32 to vector<16xi32>
          %lt3A_301 = arith.cmpi slt, %rem3A_295, %lt3A_300 : vector<16xi32>
          %lt3A_302 = arith.constant 0 : i32
          %lt3A_303 = arith.cmpi slt, %select_n3A_293, %lt3A_302 : i32
          %ne3A_304 = vector.broadcast %lt3A_303 : i1 to vector<16xi1>
          %ne3A_305 = vector.broadcast %ne3A_304 : vector<16xi1> to vector<16xi1>
          %ne3A_306 = arith.xori %lt3A_301, %ne3A_305 : vector<16xi1>
          %and3A_307 = arith.andi %ne3A_306, %ne3A_298 : vector<16xi1>
          %add3A_308 = vector.broadcast %select_n3A_293 : i32 to vector<16xi32>
          %add3A_309 = arith.addi %rem3A_295, %add3A_308 : vector<16xi32>
          %select_n3A_310 = arith.select %and3A_307, %add3A_309, %rem3A_295 : vector<16xi1>, vector<16xi32>
          %lt3A_311 = arith.constant 0 : i32
          %lt3A_312 = vector.broadcast %lt3A_311 : i32 to vector<16xi32>
          %lt3A_313 = arith.cmpi slt, %select_n3A_310, %lt3A_312 : vector<16xi32>
          %add3A_314 = arith.constant 16 : i32
          %add3A_315 = vector.broadcast %add3A_314 : i32 to vector<16xi32>
          %add3A_316 = arith.addi %select_n3A_310, %add3A_315 : vector<16xi32>
          %select_n3A_317 = arith.select %lt3A_313, %add3A_316, %select_n3A_310 : vector<16xi1>, vector<16xi32>
          %broadcast_in_dim3A_318 = vector.shape_cast %select_n3A_317 : vector<16xi32> to vector<16x1xi32>
          %gather3A_319 = vector.shape_cast %broadcast_in_dim3A_318 : vector<16x1xi32> to vector<16xi32>
          %gather3A_320 = tpu.dynamic_gather %add3A_285[%gather3A_319] in [0] : vector<16xf32>, vector<16xi32> -> vector<16xf32>
          %add3A_321 = arith.addf %add3A_285, %gather3A_320 : vector<16xf32>
          %add3A_322 = arith.constant 2 : i32
          %add3A_323 = vector.broadcast %add3A_322 : i32 to vector<16xi32>
          %add3A_324 = arith.addi %iota3A, %add3A_323 : vector<16xi32>
          %jit3A_325 = arith.constant 16 : i32
          %eq3A_326 = arith.constant 0 : i32
          %eq3A_327 = arith.cmpi eq, %jit3A_325, %eq3A_326 : i32
          %jit3A_328 = arith.constant 1 : i32
          %select_n3A_329 = arith.select %eq3A_327, %jit3A_328, %jit3A_325 : i32
          %rem3A_330 = vector.broadcast %select_n3A_329 : i32 to vector<16xi32>
          %rem3A_331 = arith.remsi %add3A_324, %rem3A_330 : vector<16xi32>
          %ne3A_332 = arith.constant 0 : i32
          %ne3A_333 = vector.broadcast %ne3A_332 : i32 to vector<16xi32>
          %ne3A_334 = arith.cmpi ne, %rem3A_331, %ne3A_333 : vector<16xi32>
          %lt3A_335 = arith.constant 0 : i32
          %lt3A_336 = vector.broadcast %lt3A_335 : i32 to vector<16xi32>
          %lt3A_337 = arith.cmpi slt, %rem3A_331, %lt3A_336 : vector<16xi32>
          %lt3A_338 = arith.constant 0 : i32
          %lt3A_339 = arith.cmpi slt, %select_n3A_329, %lt3A_338 : i32
          %ne3A_340 = vector.broadcast %lt3A_339 : i1 to vector<16xi1>
          %ne3A_341 = vector.broadcast %ne3A_340 : vector<16xi1> to vector<16xi1>
          %ne3A_342 = arith.xori %lt3A_337, %ne3A_341 : vector<16xi1>
          %and3A_343 = arith.andi %ne3A_342, %ne3A_334 : vector<16xi1>
          %add3A_344 = vector.broadcast %select_n3A_329 : i32 to vector<16xi32>
          %add3A_345 = arith.addi %rem3A_331, %add3A_344 : vector<16xi32>
          %select_n3A_346 = arith.select %and3A_343, %add3A_345, %rem3A_331 : vector<16xi1>, vector<16xi32>
          %lt3A_347 = arith.constant 0 : i32
          %lt3A_348 = vector.broadcast %lt3A_347 : i32 to vector<16xi32>
          %lt3A_349 = arith.cmpi slt, %select_n3A_346, %lt3A_348 : vector<16xi32>
          %add3A_350 = arith.constant 16 : i32
          %add3A_351 = vector.broadcast %add3A_350 : i32 to vector<16xi32>
          %add3A_352 = arith.addi %select_n3A_346, %add3A_351 : vector<16xi32>
          %select_n3A_353 = arith.select %lt3A_349, %add3A_352, %select_n3A_346 : vector<16xi1>, vector<16xi32>
          %broadcast_in_dim3A_354 = vector.shape_cast %select_n3A_353 : vector<16xi32> to vector<16x1xi32>
          %gather3A_355 = vector.shape_cast %broadcast_in_dim3A_354 : vector<16x1xi32> to vector<16xi32>
          %gather3A_356 = tpu.dynamic_gather %add3A_321[%gather3A_355] in [0] : vector<16xf32>, vector<16xi32> -> vector<16xf32>
          %add3A_357 = arith.addf %add3A_321, %gather3A_356 : vector<16xf32>
          %add3A_358 = arith.constant 1 : i32
          %add3A_359 = vector.broadcast %add3A_358 : i32 to vector<16xi32>
          %add3A_360 = arith.addi %iota3A, %add3A_359 : vector<16xi32>
          %jit3A_361 = arith.constant 16 : i32
          %eq3A_362 = arith.constant 0 : i32
          %eq3A_363 = arith.cmpi eq, %jit3A_361, %eq3A_362 : i32
          %jit3A_364 = arith.constant 1 : i32
          %select_n3A_365 = arith.select %eq3A_363, %jit3A_364, %jit3A_361 : i32
          %rem3A_366 = vector.broadcast %select_n3A_365 : i32 to vector<16xi32>
          %rem3A_367 = arith.remsi %add3A_360, %rem3A_366 : vector<16xi32>
          %ne3A_368 = arith.constant 0 : i32
          %ne3A_369 = vector.broadcast %ne3A_368 : i32 to vector<16xi32>
          %ne3A_370 = arith.cmpi ne, %rem3A_367, %ne3A_369 : vector<16xi32>
          %lt3A_371 = arith.constant 0 : i32
          %lt3A_372 = vector.broadcast %lt3A_371 : i32 to vector<16xi32>
          %lt3A_373 = arith.cmpi slt, %rem3A_367, %lt3A_372 : vector<16xi32>
          %lt3A_374 = arith.constant 0 : i32
          %lt3A_375 = arith.cmpi slt, %select_n3A_365, %lt3A_374 : i32
          %ne3A_376 = vector.broadcast %lt3A_375 : i1 to vector<16xi1>
          %ne3A_377 = vector.broadcast %ne3A_376 : vector<16xi1> to vector<16xi1>
          %ne3A_378 = arith.xori %lt3A_373, %ne3A_377 : vector<16xi1>
          %and3A_379 = arith.andi %ne3A_378, %ne3A_370 : vector<16xi1>
          %add3A_380 = vector.broadcast %select_n3A_365 : i32 to vector<16xi32>
          %add3A_381 = arith.addi %rem3A_367, %add3A_380 : vector<16xi32>
          %select_n3A_382 = arith.select %and3A_379, %add3A_381, %rem3A_367 : vector<16xi1>, vector<16xi32>
          %lt3A_383 = arith.constant 0 : i32
          %lt3A_384 = vector.broadcast %lt3A_383 : i32 to vector<16xi32>
          %lt3A_385 = arith.cmpi slt, %select_n3A_382, %lt3A_384 : vector<16xi32>
          %add3A_386 = arith.constant 16 : i32
          %add3A_387 = vector.broadcast %add3A_386 : i32 to vector<16xi32>
          %add3A_388 = arith.addi %select_n3A_382, %add3A_387 : vector<16xi32>
          %select_n3A_389 = arith.select %lt3A_385, %add3A_388, %select_n3A_382 : vector<16xi1>, vector<16xi32>
          %broadcast_in_dim3A_390 = vector.shape_cast %select_n3A_389 : vector<16xi32> to vector<16x1xi32>
          %gather3A_391 = vector.shape_cast %broadcast_in_dim3A_390 : vector<16x1xi32> to vector<16xi32>
          %gather3A_392 = tpu.dynamic_gather %add3A_357[%gather3A_391] in [0] : vector<16xf32>, vector<16xi32> -> vector<16xf32>
          %add3A_393 = arith.addf %add3A_357, %gather3A_392 : vector<16xf32>
          %select_n3A_394 = arith.select %eq3A_96, %add3A_393, %scan3A_95 : vector<16xi1>, vector<16xf32>
          scf.yield %select_n3A_394 : vector<16xf32>
        }
        %scan3A_80 = arith.constant 16 : i32
        %neg3A = arith.constant 0.000000e+00 : f32
        %neg3A_81 = vector.broadcast %neg3A : f32 to vector<16xf32>
        %neg3A_82 = arith.subf %neg3A_81, %scan3A_79 : vector<16xf32>
        %exp3A = math.exp %neg3A_82 : vector<16xf32>
        %add3A_83 = arith.constant 1.000000e+00 : f32
        %add3A_84 = vector.broadcast %add3A_83 : f32 to vector<16xf32>
        %add3A_85 = arith.addf %add3A_84, %exp3A : vector<16xf32>
        %div3A = arith.constant 1.000000e+00 : f32
        %div3A_86 = vector.broadcast %div3A : f32 to vector<16xf32>
        %div3A_87 = arith.divf %div3A_86, %add3A_85 : vector<16xf32>
        %mul3A_88 = arith.constant 96 : i32
        %mul3A_89 = arith.muli %add3A_21, %mul3A_88 : i32
        %add3A_90 = arith.addi %mul3A_89, %mul3A_73 : i32
        %swap3A = arith.index_cast %add3A_90 : i32 to index
        %swap3A_91 = tpu.vector_load %arg13[%swap3A] {strides = array<i32>} : memref<9408xf32, #tpu.memory_space<vmem>>, vector<16xf32>,
        %swap3A_92 = vector.shape_cast %swap3A_91 : vector<16xf32> to vector<16xf32>
        %swap3A_93 = vector.shape_cast %div3A_87 : vector<16xf32> to vector<16xf32>
        tpu.vector_store %arg13[%swap3A], %swap3A_93 {strides = array<i32>} : memref<9408xf32, #tpu.memory_space<vmem>>, vector<16xf32>,
      }
      %scan3A_70 = arith.constant 6 : i32
    }
    %scan3A_16 = arith.constant 49 : i32
    "tpu.region"() ({
      %run_scoped3A = tpu.sem_alloc : memref<!tpu.dma_semaphore, #tpu.memory_space<semaphore_mem>>
      %dma_start3A_17 = tpu.memref_slice %arg6[%mul3A_2] : memref<301056xf32, #tpu.memory_space<hbm>> -> memref<9408xf32, #tpu.memory_space<hbm>>
      %dma_start3A_18 = tpu.memref_slice %arg6[%mul3A_2] : memref<301056xf32, #tpu.memory_space<hbm>> -> memref<9408xf32, #tpu.memory_space<hbm>>
      tpu.enqueue_dma source(%arg13 : memref<9408xf32, #tpu.memory_space<vmem>>) target(%dma_start3A_18 : memref<9408xf32, #tpu.memory_space<hbm>>) target_semaphore(%run_scoped3A : memref<!tpu.dma_semaphore, #tpu.memory_space<semaphore_mem>>)
      %dma_wait3A = tpu.memref_slice %arg6[%mul3A_2] : memref<301056xf32, #tpu.memory_space<hbm>> -> memref<9408xf32, #tpu.memory_space<hbm>>
      %dma_wait3A_19 = tpu.memref_slice %arg6[%mul3A_2] : memref<301056xf32, #tpu.memory_space<hbm>> -> memref<9408xf32, #tpu.memory_space<hbm>>
      tpu.wait_dma2 semaphore(%run_scoped3A : memref<!tpu.dma_semaphore, #tpu.memory_space<semaphore_mem>>) src(%arg13 : memref<9408xf32, #tpu.memory_space<vmem>>) dst(%dma_wait3A_19 : memref<9408xf32, #tpu.memory_space<hbm>>)
      tpu.yield
    }) : () -> ()
    return
  }
}

</mosaic_0001>

<sc_bundles>
// kernel: kernel.3.cloned.1.call-start
scs
__scs_entry_jumppad:
0x0: {  	(pc) =	sbr.rel $0x88, $3  }
0x1: {  	(tag) =	ssettag $0x0;
	lr =	simm.s32 $0x1  }
0x2: {  	[smem:$0x3F9D] =	sst lr;
	_ =	strace $0xD0000000  }
0x3: {  	_ = 	snop  }
0x4: {  	_ = 	snop  }
0x5: {  	_ = 	snop  }
0x6: {  	_ = 	snop  }
0x7: {  	_ = 	snop  }
__scs_overlays_trampoline_lowered:
0x8: {  	[smem:$0x3FAC] =	sst s0  }
0x9: {  	[smem:$0x3FAD] =	sst s1  }
0xa: {  	[smem:$0x3FAE] =	sst s2  }
0xb: {  	[smem:$0x3FAF] =	sst s3  }
0xc: {  	[smem:$0x3FB0] =	sst s4  }
0xd: {  	[smem:$0x3FB1] =	sst s5  }
0xe: {  	[smem:$0x3FB2] =	sst s6  }
0xf: {  	[smem:$0x3FB3] =	sst s7  }
0x10: {  	[smem:$0x3FB4] =	sst s8  }
0x11: {  	[smem:$0x3FB5] =	sst s9;
	s0 =	simm.s32 @!p0 $0x0  }
0x12: {  	s1 =	sld [smem:$0x3F9B];
	s0 =	simm.s32 @p0 $0x1  }
0x13: {  	[smem:$0x3FB6] =	sst s0;
	s0 =	simm.s32 @!p1 $0x0  }
0x14: {  	s2 =	sld [smem:$0x3F9A];
	s0 =	simm.s32 @p1 $0x1  }
0x15: {  	[smem:$0x3FB7] =	sst s0;
	s0 =	simm.s32 @!p2 $0x0  }
0x16: {  	s3 =	sld [smem:$0x3FDB];
	s0 =	simm.s32 @p2 $0x1  }
0x17: {  	s4 =	simm.s32 $0x1BF5;
	[smem:$0x3FB9] =	sst s0  }
0x18: {  	s0 =	sld [smem:$0x3F9C];
	_ =	swait.ge [sflag:s4], $0x0  }
0x19: {  	s7 =	sld [smem:$0x3F9D]  }
0x1a: {  	s8 =	sadd.s32 $0xFFFFE003, lr  }
0x1b: {  	s9 =	sadd.s32 $0xFFFFFEF7, lr;
	s5 =	simm.s32 $0xFFFFFFFF;
	p2 =	slt.u32 s8, $0xFFFFF086  }
0x1c: {  	p1 =	slt.u32 s9, $0xF7A;
	s5 =	simm.s32 @!p2 $0x0  }
0x1d: {  	s5 =	simm.s32 @p1 $0x1;
	p0 =	seq.s32 s7, s2  }
0x1e: {  	s7 =	smul.u32 @!p0 $0xF7A, s2;
	p2 =	seq.s32 @!p0 s5, $0x0  }
0x1f: {  	s9 =	smul.u32 $0xF7A, s1;
	s8 =	simm.s32 @!p0 $0x1BF5;
	p2 =	por !p2, p0  }
0x20: {  	[sflag:s8] =	ssyncset.s32 @!p0 $0xFFFFF086;
	s6 =	sadd.s32 @!p0 s3, s7;
	s7 =	simm.s32 @!p0 $0x108  }
0x21: {  	s3 =	sadd.s32 s3, s9;
	s6 =	sadd.s32 @!p0 $0x88, s6;
	s7 =	simm.s32 @p2 $0x1082  }
0x22: {  	[simem:s7], [sflag:s8] =	dma.local @!p0 [hbm:s6], $0xF7A  }
0x23: {  	s9 =	sor.u32 $0xD0000000, s2;
	s6 =	simm.s32 $0x108;
	_ =	swait.ge @!p0 [sflag:s8], $0x0  }
0x24: {  	s3 =	sadd.s32 $0x88, s3;
	s6 =	simm.s32 @!p1 $0x1082;
	[sflag:s4] =	ssyncset.s32 $0xFFFFF086  }
0x25: {  	[simem:s6], [sflag:s4] =	dma.local [hbm:s3], $0xF7A  }
0x26: {  	[smem:$0x3F9D] =	sst s1;
	(tag) =	ssettag s2;
	_ =	strace s9  }
0x27: {  	s1 =	sld [smem:$0x3FAD]  }
0x28: {  	s2 =	sld [smem:$0x3FAE]  }
0x29: {  	s4 =	sld [smem:$0x3FB0]  }
0x2a: {  	p0 =	seq.s32 s5, $0x0;
	s5 =	sld [smem:$0x3FB1]  }
0x2b: {  	s6 =	sld [smem:$0x3FB2]  }
0x2c: {  	s7 =	sld [smem:$0x3FB3]  }
0x2d: {  	s3 =	simm.s32 $0x108;
	s8 =	sld [smem:$0x3FB4]  }
0x2e: {  	s3 =	simm.s32 @!p0 $0x1082;
	s9 =	sld [smem:$0x3FB5]  }
0x2f: {  	lr =	sadd.s32 s0, s3;
	s0 =	sld [smem:$0x3FAC]  }
0x30: {  	s3 =	sld [smem:$0x3FAF]  }
0x31: {  	[smem:$0x3FB8] =	sst s10  }
0x32: {  	s10 =	sld [smem:$0x3FB6];
	_ =	sdelay $0x3  }
0x33: {  	p0 =	seq.s32 s10, $0x1;
	s10 =	sld [smem:$0x3FB8];
	_ =	sdelay $0x3  }
0x34: {  	[smem:$0x3FB8] =	sst s10  }
0x35: {  	s10 =	sld [smem:$0x3FB7];
	_ =	sdelay $0x3  }
0x36: {  	p1 =	seq.s32 s10, $0x1;
	s10 =	sld [smem:$0x3FB8];
	_ =	sdelay $0x3  }
0x37: {  	[smem:$0x3FB8] =	sst s10  }
0x38: {  	s10 =	sld [smem:$0x3FB9]  }
0x39: {  	_ = 	snop;
	(pc) =	sbr.ind lr, $3  }
0x3a: {  	_ = 	snop  }
0x3b: {  	_ = 	snop  }
0x3c: {  	p2 =	seq.s32 s10, $0x1;
	s10 =	sld [smem:$0x3FB8]  }
0x3d: {  	_ =	shalt  }
0x3e: {  	_ =	shalt  }
0x3f: {  	_ =	shalt  }
0x40: {  	_ =	shalt  }
0x41: {  	_ =	shalt  }
0x42: {  	_ =	shalt  }
0x43: {  	_ =	shalt  }
0x44: {  	_ =	shalt  }
0x45: {  	_ =	shalt  }
0x46: {  	_ =	shalt  }
0x47: {  	_ =	shalt  }
0x48: {  	_ =	shalt  }
0x49: {  	_ =	shalt  }
0x4a: {  	_ =	shalt  }
0x4b: {  	_ =	shalt  }
0x4c: {  	_ =	shalt  }
0x4d: {  	_ =	shalt  }
0x4e: {  	_ =	shalt  }
0x4f: {  	_ =	shalt  }
0x50: {  	_ =	shalt  }
0x51: {  	_ =	shalt  }
0x52: {  	_ =	shalt  }
0x53: {  	_ =	shalt  }
0x54: {  	_ =	shalt  }
0x55: {  	_ =	shalt  }
0x56: {  	_ =	shalt  }
0x57: {  	_ =	shalt  }
0x58: {  	_ =	shalt  }
0x59: {  	_ =	shalt  }
0x5a: {  	_ =	shalt  }
0x5b: {  	_ =	shalt  }
0x5c: {  	_ =	shalt  }
0x5d: {  	_ =	shalt  }
0x5e: {  	_ =	shalt  }
0x5f: {  	_ =	shalt  }
0x60: {  	_ =	shalt  }
0x61: {  	_ =	shalt  }
0x62: {  	_ =	shalt  }
0x63: {  	_ =	shalt  }
0x64: {  	_ =	shalt  }
0x65: {  	_ =	shalt  }
0x66: {  	_ =	shalt  }
0x67: {  	_ =	shalt  }
0x68: {  	_ =	shalt  }
0x69: {  	_ =	shalt  }
0x6a: {  	_ =	shalt  }
0x6b: {  	_ =	shalt  }
0x6c: {  	_ =	shalt  }
0x6d: {  	_ =	shalt  }
0x6e: {  	_ =	shalt  }
0x6f: {  	_ =	shalt  }
0x70: {  	_ =	shalt  }
0x71: {  	_ =	shalt  }
0x72: {  	_ =	shalt  }
0x73: {  	_ =	shalt  }
0x74: {  	_ =	shalt  }
0x75: {  	_ =	shalt  }
0x76: {  	_ =	shalt  }
0x77: {  	_ =	shalt  }
0x78: {  	_ =	shalt  }
0x79: {  	_ =	shalt  }
0x7a: {  	_ =	shalt  }
0x7b: {  	_ =	shalt  }
0x7c: {  	_ =	shalt  }
0x7d: {  	_ =	shalt  }
0x7e: {  	_ =	shalt  }
0x7f: {  	_ =	shalt  }
0x80: {  	_ =	shalt  }
0x81: {  	_ =	shalt  }
0x82: {  	_ =	shalt  }
0x83: {  	_ =	shalt  }
0x84: {  	_ =	shalt  }
0x85: {  	_ =	shalt  }
0x86: {  	_ =	shalt  }
0x87: {  	_ =	shalt  }
.Lfunc_end0:
.L_simem_size_0:
called_computation_lowered:
.L_overlay_start_0:
0x88: {  	s2 =	sld [smem:$0x3FD9]  }
0x89: {  	s3 =	sld [smem:$0x3FFE];
	_ =	sdelay $0x1  }
0x8a: {  	s1 =	srdreg.scid  }
0x8b: {  	s0 =	sand.u32 $0x1, s1  }
0x8c: {  	s17 =	sshll.u32 s0, $0xA;
	s2 =	sadd.s32 s3, s2  }
0x8d: {  	s2 =	sadd.s32 s2, s17  }
0x8e: {  	[smem:$0x3FC4] =	sst s2  }
0x8f: {  	_ = 	snop  }
0x90: {  	s2 =	sld [smem:$0x3FC9]  }
0x91: {  	s18 =	sld [smem:$0x3FC8];
	(tm) =	ssettm $0x1  }
0x92: {  	s4 =	sld [smem:$0x3FFB];
	_ =	sdelay $0x3  }
0x93: {  	_ =	strace s4  }
0x94: {  	s4 =	sld [smem:$0x3FFC];
	_ =	sdelay $0x3  }
0x95: {  	_ =	strace s4  }
0x96: {  	s4 =	sld [smem:$0x3FFD];
	_ =	sdelay $0x3  }
0x97: {  	_ =	strace s4  }
0x98: {  	_ =	strace $0x8FFFFFFF  }
0x99: {  	s19 =	sld [smem:$0x3FDB];
	_ =	sdelay $0x1  }
0x9a: {  	s5 =	simm.s32 $_scs_section_size  }
0x9b: {  	s6 =	simm.s32 $_size__tile_overlayer_lowered;
	s7 =	simm.s32 $_tile_overlayer_lowered  }
0x9c: {  	s22 =	simm.s32 $0x1BFF;
	s21 =	sshll.u32 s7, $0x1;
	s4 =	sadd.s32 s5, s19  }
0x9d: {  	s8 =	simm.s32 $0x0;
	s20 =	sshll.u32 s6, $0x1;
	s6 =	sadd.s32 s21, s4  }
0x9e: {  	[timem:s8], [sflag:s22] =	dma.local [hbm:s6], s20  }
0x9f: {  	_ =	swait.ge [sflag:s22], s20  }
0xa0: {  	s5 =	ssub.s32 $0x0, s20;
	[sflag:s22] =	ssyncset.done $0x0  }
0xa1: {  	[sflag:s22] =	ssyncadd.s32 s5;
	_ =	sdelay $0x1  }
0xa2: {  	s23 =	simm.s32 $0x1B8B  }
0xa3: {  	_ =	swait.ge [sflag:s23], $0x1  }
0xa4: {  	[sflag:s23] =	ssyncset.done $0x0  }
0xa5: {  	s25 =	simm.s32 $0x1B8E;
	s24 =	sld [smem:$0x3FFE];
	[sflag:s23] =	ssyncadd.s32 $0xFFFFFFFF  }
0xa6: {  	s26 =	simm.s32 $execute0_lowered;
	[smem:$0x3FD2] =	sst s25  }
0xa7: {  	s6 =	sshll.u32 s26, $0x1;
	_ =	strace $0x80000046;
	[dreg:$0x1] =	wrdreg $0xFFFFFFFF  }
0xa8: {  	s28 =	simm.s32 $_size_execute0_lowered;
	s4 =	sadd.s32 s4, s6;
	[dreg:$0x0] =	wrdreg $0x0  }
0xa9: {  	s6 =	sshll.u32 s28, $0x1;
	[dreg:$0x2] =	wrdreg s4  }
0xaa: {  	[dreg:$0x3] =	wrdreg s6  }
0xab: {  	[dreg:$0x4] =	wrdreg $0xC0  }
0xac: {  	_ =	task [dreg:s8], $0x5FFFF  }
0xad: {  	[dreg:$0x1] =	wrdreg $0xFFFFFFFF  }
0xae: {  	[dreg:$0x0] =	wrdreg $0x60  }
0xaf: {  	[dreg:$0x2] =	wrdreg s2  }
0xb0: {  	[dreg:$0x3] =	wrdreg s18  }
0xb1: {  	[dreg:$0x4] =	wrdreg s24  }
0xb2: {  	[dreg:$0x5] =	wrdreg $0x9  }
0xb3: {  	_ =	task.clear_ibuf [dreg:s8], $0x6FFFF;
	_ =	strace $0x90000046  }
0xb4: {  	s29 =	simm.s32 $0x9;
	_ =	strace $0x80000048  }
0xb5: {  	_ =	swait.ge [sflag:s29], $0x1  }
0xb6: {  	[sflag:s29] =	ssyncadd.s32 $0xFFFFFFFF  }
0xb7: {  	_ =	strace $0x90000048  }
0xb8: {  	_ =	sfence  }
0xb9: {  	s30 =	sld [smem:$0x0];
	_ =	sdelay $0x2  }
0xba: {  	s31 =	sshll.u32 s1, $0xD;
	s1 =	sshrl.u32 s1, $0x2  }
0xbb: {  	s3 =	sand.u32 $0x4000, s31;
	s1 =	sadd.s32 s1, s30  }
0xbc: {  	s0 =	sor.u32 s3, s0;
	s1 =	sshll.u32 s1, $0x11  }
0xbd: {  	s0 =	sor.u32 s1, s0  }
0xbe: {  	s0 =	sadd.s32 $0x8F2B, s0  }
0xbf: {  	[sflag:s0] =	ssyncadd.remote.s32 $0x1  }
0xc0: {  	_ =	sfence.sel $0xFFFF  }
0xc1: {  	[dreg:$0x0] =	wrdreg $0xFFFFFFFF;
	(pc) =	sbr.abs _section_cstart, $3  }
0xc2: {  	[dreg:$0x1] =	wrdreg $0xFFFFFFFF  }
0xc3: {  	_ =	task.clear_ibuf [dreg:s8], $0x2FFFF;
	_ =	strace $0x9FFFFFFF  }
0xc4: {  	(tm) =	ssettm $0x7FFFFFFF  }
0xc5: {  	_ =	shalt  }
tec
execute0_lowered:
.L_overlay_start_1:
0x0: {  	(tag) =	ssettag $0x1  }
0x1: {  	s1 =	rddreg [dreg:$0x0]  }
0x2: {  	s0 =	srdreg.scid;
	s3 =	rddreg [dreg:$0x1]  }
0x3: {  	s2 =	stileid.u32;
	s5 =	rddreg [dreg:$0x2];
	v0 =	vimm.s32 $0xFEDCBA98;
	v1 =	vimm.s32 $0x76543210;
	v3 =	vimm.s32 $0x3210FEDC  }
0x4: {  	s4 =	simm.s32 $0x0;
	s7 =	simm.s32 $0x5;
	v4 =	vimm.s32 $0xBA987654;
	v5 =	vimm.s32 $0x10FEDCBA;
	s22 =	simm.s32 $0x18200;
	v2 =	vunpack.c.l.s4.s8 v0  }
0x5: {  	v6 =	vimm.s32 $0x98765432;
	s23 =	simm.s32 $0x18A00;
	s24 =	simm.s32 $0x19200;
	s25 =	simm.s32 $0x19A00;
	v1 =	vunpack.c.l.s4.s8 v1  }
0x6: {  	v7 =	vimm.s32 $0x87654321;
	s26 =	simm.s32 $0x1A200;
	vm0 =	vmmov $0xffff;
	s0 =	sand.u32 $0x1, s0;
	s2 =	sshll.u32 s2, $0x1;
	v2 =	vunpack.c.0.s8.s32 v2  }
0x7: {  	s28 =	simm.s32 $0x1AA00;
	s29 =	simm.s32 $0x1B200;
	v3 =	vunpack.c.l.s4.s8 v3;
	v4 =	vunpack.c.l.s4.s8 v4;
	s2 =	sor.u32 s0, s2;
	v1 =	vunpack.c.0.s8.s32 v1  }
0x8: {  	s30 =	simm.s32 $0x1BA00;
	v5 =	vunpack.c.l.s4.s8 v5;
	v6 =	vunpack.c.l.s4.s8 v6;
	s0 =	ssub.s32 $0x2, s0;
	s2 =	smul.u32 $0x498, s2;
	v2 =	vand.u32 $0xF, v2  }
0x9: {  	s31 =	simm.s32 $0x1C200;
	s10 =	simm.s32 $0x2;
	s6 =	sshrl.u32 s0, $0x1;
	v1 =	vcombine.low v2, v1;
	v2 =	vunpack.c.0.s8.s32 v3;
	v3 =	vimm.s32 $0xFEDCBA9  }
0xa: {  	[smem:$0x7FF] =	sst s4;
	v0 =	vlaneseq.u32;
	v7 =	vunpack.c.l.s4.s8 v7;
	s0 =	ssub.s32 s0, s6;
	s2 =	sadd.s32 s5, s2;
	v3 =	vunpack.c.l.s4.s8 v3  }
0xb: {  	_ =	strace $0x80000047;
	v4 =	vunpack.c.0.s8.s32 v4;
	v5 =	vunpack.c.0.s8.s32 v5;
	v6 =	vunpack.c.0.s8.s32 v6;
	s0 =	smax.u32 s0, $0x1;
	[dreg:$0x4] =	wrdreg s2  }
0xc: {  	s8 =	simm.s32 $0x0;
	v8 =	vshrl.u32 v0, $0x3;
	v7 =	vunpack.c.0.s8.s32 v7;
	s5 =	sadd.s32 $0x9400, s2;
	[dreg:$0x7] =	wrdreg s0;
	v9 =	vunpack.c.0.s8.s32 v3  }
0xd: {  	s6 =	simm.s32 $0x4;
	v5 =	vcombine.low v6, v5;
	v6 =	vor.u32 $0x8, v0;
	s2 =	sadd.s32 $0x12800, s2;
	[dreg:$0x5] =	wrdreg s5;
	v2 =	vcombine.low v4, v2  }
0xe: {  	s0 =	simm.s32 $0x3;
	[dreg:$0x6] =	wrdreg s2;
	s2 =	simm.s32 $0x1;
	v4 =	vmul.u32 $0x8, v8;
	v3 =	vand.u32 $0x7, v0;
	v7 =	vcombine.low v7, v9  }
.LBB2_1:
0xf: {  	[dreg:$0x8] =	wrdreg s8  }
0x10: {  	s5 =	rddreg [dreg:$0x4]  }
0x11: {  	[tilespmem:s4], [sflag:$0x5] =	stream.linear.gather [hbm4b:s5+s4], $0x24C0, $0x38;
	[tilespmem:$0x1EF00] =	vst v63  }
0x12: {  	_ =	swait.ge [sflag:s7], $0x24C0  }
0x13: {  	[sflag:s7] =	ssyncset.done $0x0  }
0x14: {  	s11 =	simm.s32 $0x2500;
	s9 =	rddreg [dreg:$0x5];
	[sflag:s7] =	ssyncadd.s32 $0xFFFFDB40  }
0x15: {  	[tilespmem:s11], [sflag:$0x5] =	stream.linear.gather [hbm4b:s9+s4], $0x24C0, $0x38;
	[tilespmem:$0x1EF00] =	vst v63  }
0x16: {  	_ =	swait.ge [sflag:s7], $0x24C0  }
0x17: {  	[sflag:s7] =	ssyncset.done $0x0  }
0x18: {  	[sflag:s7] =	ssyncadd.s32 $0xFFFFDB40  }
0x19: {  	v8 =	vld [tilespmem:$0x0];
	_ =	sdelay $0x4  }
0x1a: {  	v9 =	vshll.u32 v8, $0x1  }
0x1b: {  	v8 =	vand.u32 $0x7, v8;
	v9 =	vand.u32 $0xFFFFFFF0, v9  }
0x1c: {  	v8 =	vor.u32 v8, v9  }
0x1d: {  	v9 =	vperm.xlane v8, v3;
	_ =	sdelay $0x1  }
0x1e: {  	v8 =	vperm.xlane v8, v6;
	v9 =	vadd.s32 v4, v9;
	_ =	sdelay $0x1  }
0x1f: {  	v8 =	vadd.s32 v4, v8;
	_ =	sdelay $0x1  }
0x20: {  	s12 =	simm.s32 $0x4A00  }
0x21: {  	[tilespmem:s12], [sflag:$0x1] =	stream.indirect_vreg.gather [hbm4b:s1+s4], $0x80, v9, vm0, $0xb8;
	[tilespmem:$0x1EF00] =	vst v63  }
0x22: {  	s13 =	simm.s32 $0x5200  }
0x23: {  	[tilespmem:s13], [sflag:$0x1] =	stream.indirect_vreg.gather [hbm4b:s1+s4], $0x80, v8, vm0, $0xb8;
	[tilespmem:$0x1EF00] =	vst v63  }
0x24: {  	v8 =	vld [tilespmem:$0x10];
	_ =	sdelay $0x4  }
0x25: {  	v53 =	vshll.u32 v8, $0x1  }
0x26: {  	v8 =	vand.u32 $0x7, v8;
	v9 =	vand.u32 $0xFFFFFFF0, v53  }
0x27: {  	v8 =	vor.u32 v8, v9  }
0x28: {  	v9 =	vperm.xlane v8, v3;
	_ =	sdelay $0x1  }
0x29: {  	v8 =	vperm.xlane v8, v6;
	v9 =	vadd.s32 v4, v9;
	_ =	sdelay $0x1  }
0x2a: {  	v8 =	vadd.s32 v4, v8;
	_ =	sdelay $0x1  }
0x2b: {  	s14 =	simm.s32 $0x5A00  }
0x2c: {  	[tilespmem:s14], [sflag:$0x1] =	stream.indirect_vreg.gather [hbm4b:s1+s4], $0x80, v9, vm0, $0xb8;
	[tilespmem:$0x1EF00] =	vst v63  }
0x2d: {  	s15 =	simm.s32 $0x6200  }
0x2e: {  	[tilespmem:s15], [sflag:$0x1] =	stream.indirect_vreg.gather [hbm4b:s1+s4], $0x80, v8, vm0, $0xb8;
	[tilespmem:$0x1EF00] =	vst v63  }
0x2f: {  	v8 =	vld [tilespmem:$0x20];
	_ =	sdelay $0x4  }
0x30: {  	v54 =	vshll.u32 v8, $0x1  }
0x31: {  	v8 =	vand.u32 $0x7, v8;
	v9 =	vand.u32 $0xFFFFFFF0, v54  }
0x32: {  	v8 =	vor.u32 v8, v9  }
0x33: {  	v9 =	vperm.xlane v8, v3;
	_ =	sdelay $0x1  }
0x34: {  	v8 =	vperm.xlane v8, v6;
	v9 =	vadd.s32 v4, v9;
	_ =	sdelay $0x1  }
0x35: {  	v8 =	vadd.s32 v4, v8;
	_ =	sdelay $0x1  }
0x36: {  	s16 =	simm.s32 $0x6A00  }
0x37: {  	[tilespmem:s16], [sflag:$0x1] =	stream.indirect_vreg.gather [hbm4b:s1+s4], $0x80, v9, vm0, $0xb8;
	[tilespmem:$0x1EF00] =	vst v63  }
0x38: {  	s17 =	simm.s32 $0x7200  }
0x39: {  	[tilespmem:s17], [sflag:$0x1] =	stream.indirect_vreg.gather [hbm4b:s1+s4], $0x80, v8, vm0, $0xb8;
	[tilespmem:$0x1EF00] =	vst v63  }
0x3a: {  	v8 =	vld [tilespmem:$0x30];
	_ =	sdelay $0x4  }
0x3b: {  	v55 =	vshll.u32 v8, $0x1  }
0x3c: {  	v8 =	vand.u32 $0x7, v8;
	v9 =	vand.u32 $0xFFFFFFF0, v55  }
0x3d: {  	v8 =	vor.u32 v8, v9  }
0x3e: {  	v9 =	vperm.xlane v8, v3;
	_ =	sdelay $0x1  }
0x3f: {  	v8 =	vperm.xlane v8, v6;
	v9 =	vadd.s32 v4, v9;
	_ =	sdelay $0x1  }
0x40: {  	v8 =	vadd.s32 v4, v8;
	_ =	sdelay $0x1  }
0x41: {  	s18 =	simm.s32 $0x7A00  }
0x42: {  	[tilespmem:s18], [sflag:$0x1] =	stream.indirect_vreg.gather [hbm4b:s1+s4], $0x80, v9, vm0, $0xb8;
	[tilespmem:$0x1EF00] =	vst v63  }
0x43: {  	s19 =	simm.s32 $0x8200  }
0x44: {  	[tilespmem:s19], [sflag:$0x1] =	stream.indirect_vreg.gather [hbm4b:s1+s4], $0x80, v8, vm0, $0xb8;
	[tilespmem:$0x1EF00] =	vst v63  }
0x45: {  	v8 =	vld [tilespmem:$0x40];
	_ =	sdelay $0x4  }
0x46: {  	v56 =	vshll.u32 v8, $0x1  }
0x47: {  	v8 =	vand.u32 $0x7, v8;
	v9 =	vand.u32 $0xFFFFFFF0, v56  }
0x48: {  	v8 =	vor.u32 v8, v9  }
0x49: {  	v9 =	vperm.xlane v8, v3;
	_ =	sdelay $0x1  }
0x4a: {  	v8 =	vperm.xlane v8, v6;
	v9 =	vadd.s32 v4, v9;
	_ =	sdelay $0x1  }
0x4b: {  	v8 =	vadd.s32 v4, v8;
	_ =	sdelay $0x1  }
0x4c: {  	s20 =	simm.s32 $0x8A00  }
0x4d: {  	[tilespmem:s20], [sflag:$0x1] =	stream.indirect_vreg.gather [hbm4b:s1+s4], $0x80, v9, vm0, $0xb8;
	[tilespmem:$0x1EF00] =	vst v63  }
0x4e: {  	s21 =	simm.s32 $0x9200  }
0x4f: {  	[tilespmem:s21], [sflag:$0x1] =	stream.indirect_vreg.gather [hbm4b:s1+s4], $0x80, v8, vm0, $0xb8;
	[tilespmem:$0x1EF00] =	vst v63  }
0x50: {  	v8 =	vld [tilespmem:$0x50];
	_ =	sdelay $0x4  }
0x51: {  	v57 =	vshll.u32 v8, $0x1  }
0x52: {  	v8 =	vand.u32 $0x7, v8;
	v9 =	vand.u32 $0xFFFFFFF0, v57  }
0x53: {  	v8 =	vor.u32 v8, v9  }
0x54: {  	v9 =	vperm.xlane v8, v3;
	_ =	sdelay $0x1  }
0x55: {  	v8 =	vperm.xlane v8, v6;
	v9 =	vadd.s32 v4, v9;
	_ =	sdelay $0x1  }
0x56: {  	v8 =	vadd.s32 v4, v8;
	_ =	sdelay $0x1  }
0x57: {  	s7 =	simm.s32 $0x9A00  }
0x58: {  	[tilespmem:s7], [sflag:$0x1] =	stream.indirect_vreg.gather [hbm4b:s1+s4], $0x80, v9, vm0, $0xb8;
	[tilespmem:$0x1EF00] =	vst v63  }
0x59: {  	s8 =	simm.s32 $0xA200  }
0x5a: {  	[tilespmem:s8], [sflag:$0x1] =	stream.indirect_vreg.gather [hbm4b:s1+s4], $0x80, v8, vm0, $0xb8;
	[tilespmem:$0x1EF00] =	vst v63  }
0x5b: {  	v8 =	vld [tilespmem:$0x2500];
	_ =	sdelay $0x4  }
0x5c: {  	v58 =	vshll.u32 v8, $0x1  }
0x5d: {  	v8 =	vand.u32 $0x7, v8;
	v9 =	vand.u32 $0xFFFFFFF0, v58  }
0x5e: {  	v8 =	vor.u32 v8, v9  }
0x5f: {  	v9 =	vperm.xlane v8, v3;
	_ =	sdelay $0x1  }
0x60: {  	v8 =	vperm.xlane v8, v6;
	v9 =	vadd.s32 v4, v9;
	_ =	sdelay $0x1  }
0x61: {  	v8 =	vadd.s32 v4, v8;
	_ =	sdelay $0x1  }
0x62: {  	s9 =	simm.s32 $0x10A00  }
0x63: {  	[tilespmem:s9], [sflag:$0x3] =	stream.indirect_vreg.gather [hbm4b:s3+s4], $0x80, v9, vm0, $0xb8;
	[tilespmem:$0x1EF00] =	vst v63  }
0x64: {  	s11 =	simm.s32 $0x11200  }
0x65: {  	[tilespmem:s11], [sflag:$0x3] =	stream.indirect_vreg.gather [hbm4b:s3+s4], $0x80, v8, vm0, $0xb8;
	[tilespmem:$0x1EF00] =	vst v63  }
0x66: {  	v8 =	vld [tilespmem:$0x2510];
	_ =	sdelay $0x4  }
0x67: {  	v59 =	vshll.u32 v8, $0x1  }
0x68: {  	v8 =	vand.u32 $0x7, v8;
	v9 =	vand.u32 $0xFFFFFFF0, v59  }
0x69: {  	v8 =	vor.u32 v8, v9  }
0x6a: {  	v9 =	vperm.xlane v8, v3;
	_ =	sdelay $0x1  }
0x6b: {  	v8 =	vperm.xlane v8, v6;
	v9 =	vadd.s32 v4, v9;
	_ =	sdelay $0x1  }
0x6c: {  	v8 =	vadd.s32 v4, v8;
	_ =	sdelay $0x1  }
0x6d: {  	s12 =	simm.s32 $0x11A00  }
0x6e: {  	[tilespmem:s12], [sflag:$0x3] =	stream.indirect_vreg.gather [hbm4b:s3+s4], $0x80, v9, vm0, $0xb8;
	[tilespmem:$0x1EF00] =	vst v63  }
0x6f: {  	s13 =	simm.s32 $0x12200  }
0x70: {  	[tilespmem:s13], [sflag:$0x3] =	stream.indirect_vreg.gather [hbm4b:s3+s4], $0x80, v8, vm0, $0xb8;
	[tilespmem:$0x1EF00] =	vst v63  }
0x71: {  	v8 =	vld [tilespmem:$0x2520];
	_ =	sdelay $0x4  }
0x72: {  	v60 =	vshll.u32 v8, $0x1  }
0x73: {  	v8 =	vand.u32 $0x7, v8;
	v9 =	vand.u32 $0xFFFFFFF0, v60  }
0x74: {  	v8 =	vor.u32 v8, v9  }
0x75: {  	v9 =	vperm.xlane v8, v3;
	_ =	sdelay $0x1  }
0x76: {  	v8 =	vperm.xlane v8, v6;
	v9 =	vadd.s32 v4, v9;
	_ =	sdelay $0x1  }
0x77: {  	v8 =	vadd.s32 v4, v8;
	_ =	sdelay $0x1  }
0x78: {  	s14 =	simm.s32 $0x12A00  }
0x79: {  	[tilespmem:s14], [sflag:$0x3] =	stream.indirect_vreg.gather [hbm4b:s3+s4], $0x80, v9, vm0, $0xb8;
	[tilespmem:$0x1EF00] =	vst v63  }
0x7a: {  	s15 =	simm.s32 $0x13200  }
0x7b: {  	[tilespmem:s15], [sflag:$0x3] =	stream.indirect_vreg.gather [hbm4b:s3+s4], $0x80, v8, vm0, $0xb8;
	[tilespmem:$0x1EF00] =	vst v63  }
0x7c: {  	v8 =	vld [tilespmem:$0x2530];
	_ =	sdelay $0x4  }
0x7d: {  	v61 =	vshll.u32 v8, $0x1  }
0x7e: {  	v8 =	vand.u32 $0x7, v8;
	v9 =	vand.u32 $0xFFFFFFF0, v61  }
0x7f: {  	v8 =	vor.u32 v8, v9  }
0x80: {  	v9 =	vperm.xlane v8, v3;
	_ =	sdelay $0x1  }
0x81: {  	v8 =	vperm.xlane v8, v6;
	v9 =	vadd.s32 v4, v9;
	_ =	sdelay $0x1  }
0x82: {  	v8 =	vadd.s32 v4, v8;
	_ =	sdelay $0x1  }
0x83: {  	s16 =	simm.s32 $0x13A00  }
0x84: {  	[tilespmem:s16], [sflag:$0x3] =	stream.indirect_vreg.gather [hbm4b:s3+s4], $0x80, v9, vm0, $0xb8;
	[tilespmem:$0x1EF00] =	vst v63  }
0x85: {  	s17 =	simm.s32 $0x14200  }
0x86: {  	[tilespmem:s17], [sflag:$0x3] =	stream.indirect_vreg.gather [hbm4b:s3+s4], $0x80, v8, vm0, $0xb8;
	[tilespmem:$0x1EF00] =	vst v63  }
0x87: {  	v8 =	vld [tilespmem:$0x2540];
	_ =	sdelay $0x4  }
0x88: {  	v62 =	vshll.u32 v8, $0x1  }
0x89: {  	v8 =	vand.u32 $0x7, v8;
	v9 =	vand.u32 $0xFFFFFFF0, v62  }
0x8a: {  	v8 =	vor.u32 v8, v9  }
0x8b: {  	v9 =	vperm.xlane v8, v3;
	_ =	sdelay $0x1  }
0x8c: {  	v8 =	vperm.xlane v8, v6;
	v9 =	vadd.s32 v4, v9;
	_ =	sdelay $0x1  }
0x8d: {  	v8 =	vadd.s32 v4, v8;
	_ =	sdelay $0x1  }
0x8e: {  	s18 =	simm.s32 $0x14A00  }
0x8f: {  	[tilespmem:s18], [sflag:$0x3] =	stream.indirect_vreg.gather [hbm4b:s3+s4], $0x80, v9, vm0, $0xb8;
	[tilespmem:$0x1EF00] =	vst v63  }
0x90: {  	s19 =	simm.s32 $0x15200  }
0x91: {  	[tilespmem:s19], [sflag:$0x3] =	stream.indirect_vreg.gather [hbm4b:s3+s4], $0x80, v8, vm0, $0xb8;
	[tilespmem:$0x1EF00] =	vst v63  }
0x92: {  	v8 =	vld [tilespmem:$0x2550];
	_ =	sdelay $0x4  }
0x93: {  	v63 =	vshll.u32 v8, $0x1  }
0x94: {  	v8 =	vand.u32 $0x7, v8;
	v9 =	vand.u32 $0xFFFFFFF0, v63  }
0x95: {  	v8 =	vor.u32 v8, v9  }
0x96: {  	v9 =	vperm.xlane v8, v3;
	_ =	sdelay $0x1  }
0x97: {  	v8 =	vperm.xlane v8, v6;
	v9 =	vadd.s32 v4, v9;
	_ =	sdelay $0x1  }
0x98: {  	v8 =	vadd.s32 v4, v8;
	_ =	sdelay $0x1  }
0x99: {  	s20 =	simm.s32 $0x15A00  }
0x9a: {  	[tilespmem:s20], [sflag:$0x3] =	stream.indirect_vreg.gather [hbm4b:s3+s4], $0x80, v9, vm0, $0xb8;
	[tilespmem:$0x1EF00] =	vst v63  }
0x9b: {  	s21 =	simm.s32 $0x16200;
	s7 =	simm.s32 $0x0  }
0x9c: {  	[tilespmem:s21], [sflag:$0x3] =	stream.indirect_vreg.gather [hbm4b:s3+s4], $0x80, v8, vm0, $0xb8;
	[tilespmem:$0x1EF00] =	vst v63  }
.LBB2_2:
0x9d: {  	s8 =	smul.u32 $0xC0, s7;
	_ =	sdelay $0x1  }
0x9e: {  	v8 =	vld [tilespmem:s8+$0x60];
	_ =	sdelay $0x4  }
0x9f: {  	v9 =	vshll.u32 v8, $0x1  }
0xa0: {  	v8 =	vand.u32 $0x7, v8;
	v9 =	vand.u32 $0xFFFFFFF0, v9  }
0xa1: {  	v8 =	vor.u32 v8, v9  }
0xa2: {  	v9 =	vperm.xlane v8, v3;
	_ =	sdelay $0x1  }
0xa3: {  	v8 =	vperm.xlane v8, v6;
	v9 =	vadd.s32 v4, v9;
	_ =	sdelay $0x1  }
0xa4: {  	v8 =	vadd.s32 v4, v8;
	_ =	sdelay $0x1  }
0xa5: {  	s9 =	simm.s32 $0x0;
	s5 =	simm.s32 $0xAA00  }
0xa6: {  	[tilespmem:s5], [sflag:$0x2] =	stream.indirect_vreg.gather [hbm4b:s1+s9], $0x80, v9, vm0, $0xb8;
	[tilespmem:$0x1EF00] =	vst v63  }
0xa7: {  	s18 =	simm.s32 $0xB200  }
0xa8: {  	[tilespmem:s18], [sflag:$0x2] =	stream.indirect_vreg.gather [hbm4b:s1+s9], $0x80, v8, vm0, $0xb8;
	[tilespmem:$0x1EF00] =	vst v63  }
0xa9: {  	v8 =	vld [tilespmem:s8+$0x70];
	_ =	sdelay $0x4  }
0xaa: {  	v9 =	vshll.u32 v8, $0x1  }
0xab: {  	v8 =	vand.u32 $0x7, v8;
	v9 =	vand.u32 $0xFFFFFFF0, v9  }
0xac: {  	v8 =	vor.u32 v8, v9  }
0xad: {  	v9 =	vperm.xlane v8, v3;
	_ =	sdelay $0x1  }
0xae: {  	v8 =	vperm.xlane v8, v6;
	v9 =	vadd.s32 v4, v9;
	_ =	sdelay $0x1  }
0xaf: {  	v8 =	vadd.s32 v4, v8;
	_ =	sdelay $0x1  }
0xb0: {  	s19 =	simm.s32 $0xBA00  }
0xb1: {  	[tilespmem:s19], [sflag:$0x2] =	stream.indirect_vreg.gather [hbm4b:s1+s9], $0x80, v9, vm0, $0xb8;
	[tilespmem:$0x1EF00] =	vst v63  }
0xb2: {  	s20 =	simm.s32 $0xC200  }
0xb3: {  	[tilespmem:s20], [sflag:$0x2] =	stream.indirect_vreg.gather [hbm4b:s1+s9], $0x80, v8, vm0, $0xb8;
	[tilespmem:$0x1EF00] =	vst v63  }
0xb4: {  	v8 =	vld [tilespmem:s8+$0x80];
	_ =	sdelay $0x4  }
0xb5: {  	v9 =	vshll.u32 v8, $0x1  }
0xb6: {  	v8 =	vand.u32 $0x7, v8;
	v9 =	vand.u32 $0xFFFFFFF0, v9  }
0xb7: {  	v8 =	vor.u32 v8, v9  }
0xb8: {  	v9 =	vperm.xlane v8, v3;
	_ =	sdelay $0x1  }
0xb9: {  	v8 =	vperm.xlane v8, v6;
	v9 =	vadd.s32 v4, v9;
	_ =	sdelay $0x1  }
0xba: {  	v8 =	vadd.s32 v4, v8;
	_ =	sdelay $0x1  }
0xbb: {  	s21 =	simm.s32 $0xCA00  }
0xbc: {  	[tilespmem:s21], [sflag:$0x2] =	stream.indirect_vreg.gather [hbm4b:s1+s9], $0x80, v9, vm0, $0xb8;
	[tilespmem:$0x1EF00] =	vst v63  }
0xbd: {  	s11 =	simm.s32 $0xD200  }
0xbe: {  	[tilespmem:s11], [sflag:$0x2] =	stream.indirect_vreg.gather [hbm4b:s1+s9], $0x80, v8, vm0, $0xb8;
	[tilespmem:$0x1EF00] =	vst v63  }
0xbf: {  	v8 =	vld [tilespmem:s8+$0x90];
	_ =	sdelay $0x4  }
0xc0: {  	v9 =	vshll.u32 v8, $0x1  }
0xc1: {  	v8 =	vand.u32 $0x7, v8;
	v9 =	vand.u32 $0xFFFFFFF0, v9  }
0xc2: {  	v8 =	vor.u32 v8, v9  }
0xc3: {  	v9 =	vperm.xlane v8, v3;
	_ =	sdelay $0x1  }
0xc4: {  	v8 =	vperm.xlane v8, v6;
	v9 =	vadd.s32 v4, v9;
	_ =	sdelay $0x1  }
0xc5: {  	v8 =	vadd.s32 v4, v8;
	_ =	sdelay $0x1  }
0xc6: {  	s12 =	simm.s32 $0xDA00  }
0xc7: {  	[tilespmem:s12], [sflag:$0x2] =	stream.indirect_vreg.gather [hbm4b:s1+s9], $0x80, v9, vm0, $0xb8;
	[tilespmem:$0x1EF00] =	vst v63  }
0xc8: {  	s13 =	simm.s32 $0xE200  }
0xc9: {  	[tilespmem:s13], [sflag:$0x2] =	stream.indirect_vreg.gather [hbm4b:s1+s9], $0x80, v8, vm0, $0xb8;
	[tilespmem:$0x1EF00] =	vst v63  }
0xca: {  	v8 =	vld [tilespmem:s8+$0xA0];
	_ =	sdelay $0x4  }
0xcb: {  	v9 =	vshll.u32 v8, $0x1  }
0xcc: {  	v8 =	vand.u32 $0x7, v8;
	v9 =	vand.u32 $0xFFFFFFF0, v9  }
0xcd: {  	v8 =	vor.u32 v8, v9  }
0xce: {  	v9 =	vperm.xlane v8, v3;
	_ =	sdelay $0x1  }
0xcf: {  	v8 =	vperm.xlane v8, v6;
	v9 =	vadd.s32 v4, v9;
	_ =	sdelay $0x1  }
0xd0: {  	v8 =	vadd.s32 v4, v8;
	_ =	sdelay $0x1  }
0xd1: {  	s14 =	simm.s32 $0xEA00  }
0xd2: {  	[tilespmem:s14], [sflag:$0x2] =	stream.indirect_vreg.gather [hbm4b:s1+s9], $0x80, v9, vm0, $0xb8;
	[tilespmem:$0x1EF00] =	vst v63  }
0xd3: {  	s15 =	simm.s32 $0xF200  }
0xd4: {  	[tilespmem:s15], [sflag:$0x2] =	stream.indirect_vreg.gather [hbm4b:s1+s9], $0x80, v8, vm0, $0xb8;
	[tilespmem:$0x1EF00] =	vst v63  }
0xd5: {  	v8 =	vld [tilespmem:s8+$0xB0];
	_ =	sdelay $0x4  }
0xd6: {  	v9 =	vshll.u32 v8, $0x1  }
0xd7: {  	v8 =	vand.u32 $0x7, v8;
	v9 =	vand.u32 $0xFFFFFFF0, v9  }
0xd8: {  	v8 =	vor.u32 v8, v9  }
0xd9: {  	v9 =	vperm.xlane v8, v3;
	_ =	sdelay $0x1  }
0xda: {  	v8 =	vperm.xlane v8, v6;
	v9 =	vadd.s32 v4, v9;
	_ =	sdelay $0x1  }
0xdb: {  	v8 =	vadd.s32 v4, v8;
	_ =	sdelay $0x1  }
0xdc: {  	s16 =	simm.s32 $0xFA00  }
0xdd: {  	[tilespmem:s16], [sflag:$0x2] =	stream.indirect_vreg.gather [hbm4b:s1+s9], $0x80, v9, vm0, $0xb8;
	[tilespmem:$0x1EF00] =	vst v63  }
0xde: {  	s17 =	simm.s32 $0x10200  }
0xdf: {  	[tilespmem:s17], [sflag:$0x2] =	stream.indirect_vreg.gather [hbm4b:s1+s9], $0x80, v8, vm0, $0xb8;
	[tilespmem:$0x1EF00] =	vst v63  }
0xe0: {  	v8 =	vld [tilespmem:s8+$0x2560];
	_ =	sdelay $0x4  }
0xe1: {  	v9 =	vshll.u32 v8, $0x1  }
0xe2: {  	v8 =	vand.u32 $0x7, v8;
	v9 =	vand.u32 $0xFFFFFFF0, v9  }
0xe3: {  	v8 =	vor.u32 v8, v9  }
0xe4: {  	v9 =	vperm.xlane v8, v3;
	_ =	sdelay $0x1  }
0xe5: {  	v8 =	vperm.xlane v8, v6;
	v9 =	vadd.s32 v4, v9;
	_ =	sdelay $0x1  }
0xe6: {  	v8 =	vadd.s32 v4, v8;
	_ =	sdelay $0x1  }
0xe7: {  	s18 =	simm.s32 $0x16A00  }
0xe8: {  	[tilespmem:s18], [sflag:$0x4] =	stream.indirect_vreg.gather [hbm4b:s3+s9], $0x80, v9, vm0, $0xb8;
	[tilespmem:$0x1EF00] =	vst v63  }
0xe9: {  	s19 =	simm.s32 $0x17200  }
0xea: {  	[tilespmem:s19], [sflag:$0x4] =	stream.indirect_vreg.gather [hbm4b:s3+s9], $0x80, v8, vm0, $0xb8;
	[tilespmem:$0x1EF00] =	vst v63  }
0xeb: {  	v8 =	vld [tilespmem:s8+$0x2570];
	_ =	sdelay $0x4  }
0xec: {  	v9 =	vshll.u32 v8, $0x1  }
0xed: {  	v8 =	vand.u32 $0x7, v8;
	v9 =	vand.u32 $0xFFFFFFF0, v9  }
0xee: {  	v8 =	vor.u32 v8, v9  }
0xef: {  	v9 =	vperm.xlane v8, v3;
	_ =	sdelay $0x1  }
0xf0: {  	v8 =	vperm.xlane v8, v6;
	v9 =	vadd.s32 v4, v9;
	_ =	sdelay $0x1  }
0xf1: {  	v8 =	vadd.s32 v4, v8;
	_ =	sdelay $0x1  }
0xf2: {  	s20 =	simm.s32 $0x17A00  }
0xf3: {  	[tilespmem:s20], [sflag:$0x4] =	stream.indirect_vreg.gather [hbm4b:s3+s9], $0x80, v9, vm0, $0xb8;
	[tilespmem:$0x1EF00] =	vst v63  }
0xf4: {  	_ = 	snop  }
0xf5: {  	[tilespmem:s22], [sflag:$0x4] =	stream.indirect_vreg.gather [hbm4b:s3+s9], $0x80, v8, vm0, $0xb8;
	[tilespmem:$0x1EF00] =	vst v63  }
0xf6: {  	v8 =	vld [tilespmem:s8+$0x2580];
	_ =	sdelay $0x4  }
0xf7: {  	v9 =	vshll.u32 v8, $0x1  }
0xf8: {  	v8 =	vand.u32 $0x7, v8;
	v9 =	vand.u32 $0xFFFFFFF0, v9  }
0xf9: {  	v8 =	vor.u32 v8, v9  }
0xfa: {  	v9 =	vperm.xlane v8, v3;
	_ =	sdelay $0x1  }
0xfb: {  	v8 =	vperm.xlane v8, v6;
	v9 =	vadd.s32 v4, v9;
	_ =	sdelay $0x1  }
0xfc: {  	v8 =	vadd.s32 v4, v8;
	_ =	sdelay $0x2  }
0xfd: {  	[tilespmem:s23], [sflag:$0x4] =	stream.indirect_vreg.gather [hbm4b:s3+s9], $0x80, v9, vm0, $0xb8;
	[tilespmem:$0x1EF00] =	vst v63  }
0xfe: {  	_ = 	snop  }
0xff: {  	[tilespmem:s24], [sflag:$0x4] =	stream.indirect_vreg.gather [hbm4b:s3+s9], $0x80, v8, vm0, $0xb8;
	[tilespmem:$0x1EF00] =	vst v63  }
0x100: {  	v8 =	vld [tilespmem:s8+$0x2590];
	_ =	sdelay $0x4  }
0x101: {  	v9 =	vshll.u32 v8, $0x1  }
0x102: {  	v8 =	vand.u32 $0x7, v8;
	v9 =	vand.u32 $0xFFFFFFF0, v9  }
0x103: {  	v8 =	vor.u32 v8, v9  }
0x104: {  	v9 =	vperm.xlane v8, v3;
	_ =	sdelay $0x1  }
0x105: {  	v8 =	vperm.xlane v8, v6;
	v9 =	vadd.s32 v4, v9;
	_ =	sdelay $0x1  }
0x106: {  	v8 =	vadd.s32 v4, v8;
	_ =	sdelay $0x2  }
0x107: {  	[tilespmem:s25], [sflag:$0x4] =	stream.indirect_vreg.gather [hbm4b:s3+s9], $0x80, v9, vm0, $0xb8;
	[tilespmem:$0x1EF00] =	vst v63  }
0x108: {  	_ = 	snop  }
0x109: {  	[tilespmem:s26], [sflag:$0x4] =	stream.indirect_vreg.gather [hbm4b:s3+s9], $0x80, v8, vm0, $0xb8;
	[tilespmem:$0x1EF00] =	vst v63  }
0x10a: {  	v8 =	vld [tilespmem:s8+$0x25A0];
	_ =	sdelay $0x4  }
0x10b: {  	v9 =	vshll.u32 v8, $0x1  }
0x10c: {  	v8 =	vand.u32 $0x7, v8;
	v9 =	vand.u32 $0xFFFFFFF0, v9  }
0x10d: {  	v8 =	vor.u32 v8, v9  }
0x10e: {  	v9 =	vperm.xlane v8, v3;
	_ =	sdelay $0x1  }
0x10f: {  	v8 =	vperm.xlane v8, v6;
	v9 =	vadd.s32 v4, v9;
	_ =	sdelay $0x1  }
0x110: {  	v8 =	vadd.s32 v4, v8;
	_ =	sdelay $0x2  }
0x111: {  	[tilespmem:s28], [sflag:$0x4] =	stream.indirect_vreg.gather [hbm4b:s3+s9], $0x80, v9, vm0, $0xb8;
	[tilespmem:$0x1EF00] =	vst v63  }
0x112: {  	_ = 	snop  }
0x113: {  	[tilespmem:s29], [sflag:$0x4] =	stream.indirect_vreg.gather [hbm4b:s3+s9], $0x80, v8, vm0, $0xb8;
	[tilespmem:$0x1EF00] =	vst v63  }
0x114: {  	v8 =	vld [tilespmem:s8+$0x25B0];
	_ =	sdelay $0x4  }
0x115: {  	v9 =	vshll.u32 v8, $0x1  }
0x116: {  	v8 =	vand.u32 $0x7, v8;
	v9 =	vand.u32 $0xFFFFFFF0, v9  }
0x117: {  	v8 =	vor.u32 v8, v9  }
0x118: {  	v9 =	vperm.xlane v8, v3;
	_ =	sdelay $0x1  }
0x119: {  	v8 =	vperm.xlane v8, v6;
	v9 =	vadd.s32 v4, v9;
	_ =	sdelay $0x1  }
0x11a: {  	v8 =	vadd.s32 v4, v8;
	_ =	sdelay $0x2  }
0x11b: {  	[tilespmem:s30], [sflag:$0x4] =	stream.indirect_vreg.gather [hbm4b:s3+s9], $0x80, v9, vm0, $0xb8;
	[tilespmem:$0x1EF00] =	vst v63  }
0x11c: {  	_ = 	snop  }
0x11d: {  	[tilespmem:s31], [sflag:$0x4] =	stream.indirect_vreg.gather [hbm4b:s3+s9], $0x80, v8, vm0, $0xb8;
	[tilespmem:$0x1EF00] =	vst v63  }
0x11e: {  	_ =	swait.ge [sflag:s2], $0x6000  }
0x11f: {  	s21 =	smul.u32 $0x300, s7;
	[sflag:s2] =	ssyncset.done $0x0  }
0x120: {  	[sflag:s2] =	ssyncadd.s32 $0xFFFFA000  }
0x121: {  	s11 =	sshra.s32 s21, $0x2;
	_ =	swait.ge [sflag:s0], $0x6000  }
0x122: {  	s5 =	sadd.s32 $0x60, s8;
	s11 =	sadd.s32 $0x1CA00, s11;
	[sflag:s0] =	ssyncset.done $0x0  }
0x123: {  	s12 =	simm.s32 $0x0;
	v8 =	vmov s11;
	s11 =	simm.s32 $0x0;
	[sflag:s0] =	ssyncadd.s32 $0xFFFFA000  }
.LBB2_3:
0x124: {  	s13 =	sand.u32 $0x7800, s11;
	s14 =	sand.u32 $0x380, s9  }
0x125: {  	s16 =	sor.u32 s14, s13  }
0x126: {  	v9 =	vld [tilespmem:s16+$0x4A30]  }
0x127: {  	v10 =	vld [tilespmem:s16+$0x10A30]  }
0x128: {  	v11 =	vld [tilespmem:s16+$0x4A70]  }
0x129: {  	v12 =	vld [tilespmem:s16+$0x10A70]  }
0x12a: {  	v15 =	vld [tilespmem:s16+$0x4E30]  }
0x12b: {  	v16 =	vld [tilespmem:s16+$0x10E30]  }
0x12c: {  	v13 =	vld [tilespmem:s16+$0x4A20]  }
0x12d: {  	v14 =	vld [tilespmem:s16+$0x10A20]  }
0x12e: {  	v17 =	vld [tilespmem:s16+$0x4A60]  }
0x12f: {  	v18 =	vld [tilespmem:s16+$0x10A60]  }
0x130: {  	v19 =	vld [tilespmem:s16+$0x4E20]  }
0x131: {  	v20 =	vld [tilespmem:s16+$0x10E20]  }
0x132: {  	v21 =	vld [tilespmem:s16+$0x4A00]  }
0x133: {  	v22 =	vld [tilespmem:s16+$0x10A00]  }
0x134: {  	v23 =	vld [tilespmem:s16+$0x4A10]  }
0x135: {  	v24 =	vld [tilespmem:s16+$0x10A10]  }
0x136: {  	v25 =	vld [tilespmem:s16+$0x4A40]  }
0x137: {  	v26 =	vld [tilespmem:s16+$0x10A40]  }
0x138: {  	v27 =	vld [tilespmem:s16+$0x4A50]  }
0x139: {  	v28 =	vld [tilespmem:s16+$0x10A50]  }
0x13a: {  	v29 =	vld [tilespmem:s16+$0x4E00]  }
0x13b: {  	v30 =	vld [tilespmem:s16+$0x10E00]  }
0x13c: {  	v31 =	vld [tilespmem:s16+$0x4E10]  }
0x13d: {  	v32 =	vld [tilespmem:s16+$0x10E10]  }
0x13e: {  	v33 =	vld [tilespmem:s16+$0x4E40]  }
0x13f: {  	v34 =	vld [tilespmem:s16+$0x10E40]  }
0x140: {  	v35 =	vld [tilespmem:s16+$0x4E50]  }
0x141: {  	v36 =	vld [tilespmem:s16+$0x10E50];
	v37 =	vmul.f32 v10, v9;
	v11 =	vmul.f32 v12, v11  }
0x142: {  	v9 =	vld [tilespmem:s16+$0x4E60];
	v10 =	vmul.f32 v14, v13;
	v18 =	vmul.f32 v18, v17  }
0x143: {  	s15 =	sadd.s32 $0x100, s11;
	s14 =	simm.s32 $0x80;
	v17 =	vld [tilespmem:s16+$0x10E60];
	v14 =	vmul.f32 v22, v21;
	v21 =	vmul.f32 v24, v23  }
0x144: {  	s21 =	sand.u32 $0x7800, s15;
	s17 =	sand.u32 $0x380, s14;
	v22 =	vld [tilespmem:s16+$0x4E70];
	v23 =	vmul.f32 v26, v25;
	v24 =	vmul.f32 v28, v27  }
0x145: {  	s13 =	sor.u32 s17, s21;
	v25 =	vld [tilespmem:s16+$0x10E70];
	v26 =	vmul.f32 v30, v29;
	v27 =	vmul.f32 v32, v31  }
0x146: {  	v12 =	vld [tilespmem:s13+$0x4A30];
	v28 =	vmul.f32 v34, v33;
	v29 =	vmul.f32 v36, v35  }
0x147: {  	v13 =	vld [tilespmem:s13+$0x10A30];
	v19 =	vmul.f32 v20, v19;
	v21 =	vadd.f32 v21, v14;
	v23 =	vadd.f32 v24, v23  }
0x148: {  	v30 =	vld [tilespmem:s13+$0x10A50];
	v20 =	vadd.f32 v27, v26;
	v24 =	vadd.f32 v29, v28;
	v26 =	vmul.f32 v17, v9  }
0x149: {  	v15 =	vmul.f32 v16, v15;
	v32 =	vld [tilespmem:s13+$0x10E00];
	v21 =	vadd.f32 v10, v21;
	v18 =	vadd.f32 v18, v23  }
0x14a: {  	v33 =	vld [tilespmem:s13+$0x4E10];
	v16 =	vadd.f32 v19, v20;
	v20 =	vmul.f32 v25, v22;
	v19 =	vadd.f32 v26, v24  }
0x14b: {  	v35 =	vld [tilespmem:s13+$0x10E10];
	v21 =	vadd.f32 v37, v21;
	v11 =	vadd.f32 v11, v18  }
0x14c: {  	v34 =	vld [tilespmem:s13+$0x4E40];
	v15 =	vadd.f32 v15, v16;
	v16 =	vadd.f32 v20, v19  }
0x14d: {  	v14 =	vld [tilespmem:s13+$0x4A70]  }
0x14e: {  	v27 =	vld [tilespmem:s13+$0x10A10];
	v11 =	vadd.f32 v11, v21;
	v16 =	vadd.f32 v16, v15  }
0x14f: {  	v28 =	vld [tilespmem:s13+$0x4A50]  }
0x150: {  	v10 =	vld [tilespmem:s13+$0x10E30];
	v11 =	vadd.f32 v16, v11  }
0x151: {  	v23 =	vld [tilespmem:s13+$0x10A00]  }
0x152: {  	v17 =	vld [tilespmem:s13+$0x10A70];
	v24 =	vperm.xlane v11, v1  }
0x153: {  	v9 =	vld [tilespmem:s13+$0x4E30]  }
0x154: {  	v22 =	vld [tilespmem:s13+$0x4A00];
	v11 =	vadd.f32 v11, v24  }
0x155: {  	v25 =	vld [tilespmem:s13+$0x4A10]  }
0x156: {  	v18 =	vld [tilespmem:s13+$0x4A20];
	v29 =	vperm.xlane v11, v2  }
0x157: {  	v37 =	vld [tilespmem:s13+$0x10E40]  }
0x158: {  	v26 =	vld [tilespmem:s13+$0x10A40];
	v11 =	vadd.f32 v11, v29  }
0x159: {  	v21 =	vld [tilespmem:s13+$0x10A60]  }
0x15a: {  	v19 =	vld [tilespmem:s13+$0x10A20];
	v31 =	vperm.xlane v11, v5  }
0x15b: {  	v20 =	vld [tilespmem:s13+$0x4A60]  }
0x15c: {  	v15 =	vld [tilespmem:s13+$0x4E20];
	v31 =	vadd.f32 v11, v31  }
0x15d: {  	v16 =	vld [tilespmem:s13+$0x10E20]  }
0x15e: {  	s19 =	simm.s32 $0x2;
	v24 =	vld [tilespmem:s13+$0x4A40];
	v36 =	vperm.xlane v31, v7  }
0x15f: {  	s18 =	simm.s32 $0x0;
	s17 =	simm.s32 $0x1;
	s16 =	sshll.u32 s12, $0x4;
	v29 =	vld [tilespmem:s13+$0x4E00];
	v11 =	vimm.f32 $0.0e+00  }
.LBB2_4:
0x160: {  	p0 =	sne.s32 s19, $0xF;
	v38 =	vld [tilespmem:s13+$0x4E50];
	v39 =	vmov s18;
	v31 =	vadd.f32 v31, v36;
	s18 =	smov.u32 s17;
	s17 =	smov.u32 s19  }
0x161: {  	v36 =	vmul.f32 v13, v12;
	v40 =	vmul.f32 v17, v14;
	v13 =	vld [tilespmem:s13+$0x10E50];
	vm1 =	veq.s32 v39, v0  }
0x162: {  	v18 =	vmul.f32 v19, v18;
	v19 =	vmul.f32 v21, v20;
	v17 =	vld [tilespmem:s13+$0x4E60];
	v11 =	vsel vm1, v31, v11  }
0x163: {  	v14 =	vmul.f32 v23, v22;
	v20 =	vmul.f32 v27, v25;
	s14 =	sadd.s32 $0x80, s14;
	s15 =	sadd.s32 $0x100, s15;
	v21 =	vld [tilespmem:s13+$0x10E60]  }
0x164: {  	v22 =	vmul.f32 v26, v24;
	v23 =	vmul.f32 v30, v28;
	s20 =	sand.u32 $0x7800, s15;
	s21 =	sand.u32 $0x380, s14;
	v24 =	vld [tilespmem:s13+$0x4E70]  }
0x165: {  	v25 =	vmul.f32 v32, v29;
	v26 =	vmul.f32 v35, v33;
	v27 =	vld [tilespmem:s13+$0x10E70];
	s13 =	sor.u32 s21, s20  }
0x166: {  	v28 =	vmul.f32 v37, v34;
	v12 =	vld [tilespmem:s13+$0x4A30];
	v29 =	vmul.f32 v13, v38  }
0x167: {  	v15 =	vmul.f32 v16, v15;
	v20 =	vadd.f32 v20, v14;
	v22 =	vadd.f32 v23, v22;
	v13 =	vld [tilespmem:s13+$0x10A30]  }
0x168: {  	v16 =	vadd.f32 v26, v25;
	v14 =	vld [tilespmem:s13+$0x4A70];
	v23 =	vadd.f32 v29, v28;
	v21 =	vmul.f32 v21, v17  }
0x169: {  	v18 =	vadd.f32 v18, v20;
	v19 =	vadd.f32 v19, v22;
	v20 =	vmul.f32 v10, v9;
	v17 =	vld [tilespmem:s13+$0x10A70]  }
0x16a: {  	v15 =	vadd.f32 v15, v16;
	v9 =	vld [tilespmem:s13+$0x4E30];
	v16 =	vadd.f32 v21, v23;
	v21 =	vmul.f32 v27, v24  }
0x16b: {  	v22 =	vadd.f32 v36, v18;
	v23 =	vadd.f32 v40, v19;
	v10 =	vld [tilespmem:s13+$0x10E30]  }
0x16c: {  	v15 =	vadd.f32 v20, v15;
	v18 =	vld [tilespmem:s13+$0x4A20];
	v16 =	vadd.f32 v21, v16  }
0x16d: {  	v19 =	vld [tilespmem:s13+$0x10A20]  }
0x16e: {  	v22 =	vadd.f32 v23, v22;
	v20 =	vld [tilespmem:s13+$0x4A60];
	v16 =	vadd.f32 v16, v15  }
0x16f: {  	v21 =	vld [tilespmem:s13+$0x10A60]  }
0x170: {  	v15 =	vld [tilespmem:s13+$0x4E20];
	v24 =	vadd.f32 v16, v22  }
0x171: {  	v16 =	vld [tilespmem:s13+$0x10E20]  }
0x172: {  	v22 =	vld [tilespmem:s13+$0x4A00];
	v26 =	vperm.xlane v24, v1  }
0x173: {  	v23 =	vld [tilespmem:s13+$0x10A00]  }
0x174: {  	v25 =	vld [tilespmem:s13+$0x4A10];
	v29 =	vadd.f32 v24, v26  }
0x175: {  	v27 =	vld [tilespmem:s13+$0x10A10]  }
0x176: {  	v24 =	vld [tilespmem:s13+$0x4A40];
	v30 =	vperm.xlane v29, v2  }
0x177: {  	v26 =	vld [tilespmem:s13+$0x10A40]  }
0x178: {  	v28 =	vld [tilespmem:s13+$0x4A50];
	v31 =	vadd.f32 v29, v30  }
0x179: {  	v30 =	vld [tilespmem:s13+$0x10A50]  }
0x17a: {  	v29 =	vld [tilespmem:s13+$0x4E00];
	v34 =	vperm.xlane v31, v5  }
.Ltmp0:
0x17b: {  	v32 =	vld [tilespmem:s13+$0x10E00];
	(pc) =	sbr.rel @p0 .LBB2_4-.Ltmp0, $4  }
0x17c: {  	v33 =	vld [tilespmem:s13+$0x4E10];
	v31 =	vadd.f32 v31, v34  }
0x17d: {  	v35 =	vld [tilespmem:s13+$0x10E10]  }
0x17e: {  	v34 =	vld [tilespmem:s13+$0x4E40];
	v36 =	vperm.xlane v31, v7  }
0x17f: {  	s19 =	sadd.s32 $0x1, s19;
	v37 =	vld [tilespmem:s13+$0x10E40]  }
0x180: {  	v38 =	vld [tilespmem:s13+$0x4E50]  }
0x181: {  	v12 =	vmul.f32 v13, v12;
	v43 =	vmul.f32 v17, v14;
	v44 =	vld [tilespmem:s13+$0x10E50]  }
0x182: {  	v45 =	vmul.f32 v19, v18;
	v46 =	vmul.f32 v21, v20;
	v47 =	vld [tilespmem:s13+$0x4E60]  }
0x183: {  	v48 =	vmul.f32 v23, v22;
	v49 =	vmul.f32 v27, v25;
	v50 =	vld [tilespmem:s13+$0x10E60]  }
0x184: {  	v51 =	vmul.f32 v26, v24;
	v52 =	vmul.f32 v30, v28;
	v53 =	vld [tilespmem:s13+$0x4E70]  }
0x185: {  	v54 =	vmul.f32 v32, v29;
	v56 =	vld [tilespmem:s13+$0x10E70];
	v55 =	vmul.f32 v35, v33  }
0x186: {  	v57 =	vmul.f32 v37, v34;
	v14 =	vmul.f32 v44, v38  }
0x187: {  	v15 =	vmul.f32 v16, v15;
	v20 =	vadd.f32 v49, v48;
	v58 =	vadd.f32 v52, v51  }
0x188: {  	v59 =	vadd.f32 v55, v54;
	v19 =	vmul.f32 v50, v47;
	v14 =	vadd.f32 v14, v57  }
0x189: {  	v9 =	vmul.f32 v10, v9;
	v17 =	vadd.f32 v45, v20;
	v18 =	vadd.f32 v46, v58  }
0x18a: {  	v60 =	vmul.f32 v56, v53;
	v10 =	vadd.f32 v15, v59;
	v14 =	vadd.f32 v19, v14  }
0x18b: {  	v12 =	vadd.f32 v12, v17;
	v13 =	vadd.f32 v43, v18  }
0x18c: {  	v9 =	vadd.f32 v9, v10;
	v10 =	vadd.f32 v60, v14;
	_ =	sdelay $0x1  }
0x18d: {  	v12 =	vadd.f32 v13, v12;
	v9 =	vadd.f32 v10, v9;
	_ =	sdelay $0x1  }
0x18e: {  	v9 =	vadd.f32 v9, v12;
	_ =	sdelay $0x1  }
0x18f: {  	v10 =	vperm.xlane v9, v1;
	_ =	sdelay $0x1  }
0x190: {  	v9 =	vadd.f32 v9, v10;
	_ =	sdelay $0x1  }
0x191: {  	v10 =	vperm.xlane v9, v2;
	_ =	sdelay $0x1  }
0x192: {  	v9 =	vadd.f32 v9, v10;
	_ =	sdelay $0x1  }
0x193: {  	v10 =	vperm.xlane v9, v5;
	_ =	sdelay $0x1  }
0x194: {  	v9 =	vadd.f32 v9, v10;
	_ =	sdelay $0x1  }
0x195: {  	v10 =	vperm.xlane v9, v7  }
0x196: {  	v61 =	vmov s18;
	v62 =	vadd.f32 v31, v36  }
0x197: {  	v63 =	vmov s17;
	vm1 =	veq.s32 v61, v0;
	v9 =	vadd.f32 v9, v10  }
0x198: {  	v10 =	vsel vm1, v62, v11;
	vm1 =	veq.s32 v63, v0  }
0x199: {  	v9 =	vsel vm1, v9, v10  }
0x19a: {  	v9 =	vsub.f32 $0.0e+00, v9;
	_ =	sdelay $0x1  }
0x19b: {  	v9 =	vmul.f32 $1.442695020e+00, v9;
	_ =	sdelay $0x1  }
0x19c: {  	(erf) = vpow2.f32 v9;
	_ =	sdelay $0x8  }
0x19d: {  	v9 =	vpop (erf)  }
0x19e: {  	v9 =	vadd.f32 $1.000000000e+00, v9;
	_ =	sdelay $0x1  }
0x19f: {  	(erf) = vrcp.f32 v9;
	_ =	sdelay $0x3  }
0x1a0: {  	s12 =	sadd.s32 $0x1, s12  }
0x1a1: {  	p0 =	sne.s32 s12, $0x6  }
.Ltmp1:
0x1a2: {  	_ = 	snop;
	(pc) =	sbr.rel @p0 .LBB2_3-.Ltmp1, $3  }
0x1a3: {  	_ =	sdelay $0x1  }
0x1a4: {  	v9 =	vpop (erf)  }
0x1a5: {  	s11 =	sadd.s32 $0x1000, s11;
	[tilespmem:v8+s16+$0x0 ss:$0x1] =	vst.idx.msk $0xffff, v9  }
0x1a6: {  	p0 =	seq.s32 s7, $0x30  }
.Ltmp2:
0x1a7: {  	_ = 	snop;
	(pc) =	sbr.rel @p0 .LBB2_8-.Ltmp2, $1  }
0x1a8: {  	_ =	sdelay $0x3  }
0x1a9: {  	v8 =	vld [tilespmem:s8+$0xC0];
	_ =	sdelay $0x4  }
0x1aa: {  	v9 =	vshll.u32 v8, $0x1  }
0x1ab: {  	v8 =	vand.u32 $0x7, v8;
	v9 =	vand.u32 $0xFFFFFFF0, v9  }
0x1ac: {  	v8 =	vor.u32 v8, v9  }
0x1ad: {  	v9 =	vperm.xlane v8, v3;
	_ =	sdelay $0x1  }
0x1ae: {  	v8 =	vperm.xlane v8, v6;
	v9 =	vadd.s32 v4, v9;
	_ =	sdelay $0x1  }
0x1af: {  	v8 =	vadd.s32 v4, v8;
	_ =	sdelay $0x1  }
0x1b0: {  	s9 =	simm.s32 $0x4A00  }
0x1b1: {  	[tilespmem:s9], [sflag:$0x1] =	stream.indirect_vreg.gather [hbm4b:s1+s4], $0x80, v9, vm0, $0xb8;
	[tilespmem:$0x1EF00] =	vst v63  }
0x1b2: {  	s21 =	simm.s32 $0x5200  }
0x1b3: {  	[tilespmem:s21], [sflag:$0x1] =	stream.indirect_vreg.gather [hbm4b:s1+s4], $0x80, v8, vm0, $0xb8;
	[tilespmem:$0x1EF00] =	vst v63  }
0x1b4: {  	v8 =	vld [tilespmem:s8+$0xD0];
	_ =	sdelay $0x4  }
0x1b5: {  	v53 =	vshll.u32 v8, $0x1  }
0x1b6: {  	v8 =	vand.u32 $0x7, v8;
	v9 =	vand.u32 $0xFFFFFFF0, v53  }
0x1b7: {  	v8 =	vor.u32 v8, v9  }
0x1b8: {  	v9 =	vperm.xlane v8, v3;
	_ =	sdelay $0x1  }
0x1b9: {  	v8 =	vperm.xlane v8, v6;
	v9 =	vadd.s32 v4, v9;
	_ =	sdelay $0x1  }
0x1ba: {  	v8 =	vadd.s32 v4, v8;
	_ =	sdelay $0x1  }
0x1bb: {  	s11 =	simm.s32 $0x5A00  }
0x1bc: {  	[tilespmem:s11], [sflag:$0x1] =	stream.indirect_vreg.gather [hbm4b:s1+s4], $0x80, v9, vm0, $0xb8;
	[tilespmem:$0x1EF00] =	vst v63  }
0x1bd: {  	s12 =	simm.s32 $0x6200  }
0x1be: {  	[tilespmem:s12], [sflag:$0x1] =	stream.indirect_vreg.gather [hbm4b:s1+s4], $0x80, v8, vm0, $0xb8;
	[tilespmem:$0x1EF00] =	vst v63  }
0x1bf: {  	v8 =	vld [tilespmem:s8+$0xE0];
	_ =	sdelay $0x4  }
0x1c0: {  	v54 =	vshll.u32 v8, $0x1  }
0x1c1: {  	v8 =	vand.u32 $0x7, v8;
	v9 =	vand.u32 $0xFFFFFFF0, v54  }
0x1c2: {  	v8 =	vor.u32 v8, v9  }
0x1c3: {  	v9 =	vperm.xlane v8, v3;
	_ =	sdelay $0x1  }
0x1c4: {  	v8 =	vperm.xlane v8, v6;
	v9 =	vadd.s32 v4, v9;
	_ =	sdelay $0x1  }
0x1c5: {  	v8 =	vadd.s32 v4, v8;
	_ =	sdelay $0x1  }
0x1c6: {  	s13 =	simm.s32 $0x6A00  }
0x1c7: {  	[tilespmem:s13], [sflag:$0x1] =	stream.indirect_vreg.gather [hbm4b:s1+s4], $0x80, v9, vm0, $0xb8;
	[tilespmem:$0x1EF00] =	vst v63  }
0x1c8: {  	s14 =	simm.s32 $0x7200  }
0x1c9: {  	[tilespmem:s14], [sflag:$0x1] =	stream.indirect_vreg.gather [hbm4b:s1+s4], $0x80, v8, vm0, $0xb8;
	[tilespmem:$0x1EF00] =	vst v63  }
0x1ca: {  	v8 =	vld [tilespmem:s8+$0xF0];
	_ =	sdelay $0x4  }
0x1cb: {  	v55 =	vshll.u32 v8, $0x1  }
0x1cc: {  	v8 =	vand.u32 $0x7, v8;
	v9 =	vand.u32 $0xFFFFFFF0, v55  }
0x1cd: {  	v8 =	vor.u32 v8, v9  }
0x1ce: {  	v9 =	vperm.xlane v8, v3;
	_ =	sdelay $0x1  }
0x1cf: {  	v8 =	vperm.xlane v8, v6;
	v9 =	vadd.s32 v4, v9;
	_ =	sdelay $0x1  }
0x1d0: {  	v8 =	vadd.s32 v4, v8;
	_ =	sdelay $0x1  }
0x1d1: {  	s15 =	simm.s32 $0x7A00  }
0x1d2: {  	[tilespmem:s15], [sflag:$0x1] =	stream.indirect_vreg.gather [hbm4b:s1+s4], $0x80, v9, vm0, $0xb8;
	[tilespmem:$0x1EF00] =	vst v63  }
0x1d3: {  	s16 =	simm.s32 $0x8200  }
0x1d4: {  	[tilespmem:s16], [sflag:$0x1] =	stream.indirect_vreg.gather [hbm4b:s1+s4], $0x80, v8, vm0, $0xb8;
	[tilespmem:$0x1EF00] =	vst v63  }
0x1d5: {  	v8 =	vld [tilespmem:s8+$0x100];
	_ =	sdelay $0x4  }
0x1d6: {  	v56 =	vshll.u32 v8, $0x1  }
0x1d7: {  	v8 =	vand.u32 $0x7, v8;
	v9 =	vand.u32 $0xFFFFFFF0, v56  }
0x1d8: {  	v8 =	vor.u32 v8, v9  }
0x1d9: {  	v9 =	vperm.xlane v8, v3;
	_ =	sdelay $0x1  }
0x1da: {  	v8 =	vperm.xlane v8, v6;
	v9 =	vadd.s32 v4, v9;
	_ =	sdelay $0x1  }
0x1db: {  	v8 =	vadd.s32 v4, v8;
	_ =	sdelay $0x1  }
0x1dc: {  	s17 =	simm.s32 $0x8A00  }
0x1dd: {  	[tilespmem:s17], [sflag:$0x1] =	stream.indirect_vreg.gather [hbm4b:s1+s4], $0x80, v9, vm0, $0xb8;
	[tilespmem:$0x1EF00] =	vst v63  }
0x1de: {  	s18 =	simm.s32 $0x9200  }
0x1df: {  	[tilespmem:s18], [sflag:$0x1] =	stream.indirect_vreg.gather [hbm4b:s1+s4], $0x80, v8, vm0, $0xb8;
	[tilespmem:$0x1EF00] =	vst v63  }
0x1e0: {  	v8 =	vld [tilespmem:s8+$0x110];
	_ =	sdelay $0x4  }
0x1e1: {  	v57 =	vshll.u32 v8, $0x1  }
0x1e2: {  	v8 =	vand.u32 $0x7, v8;
	v9 =	vand.u32 $0xFFFFFFF0, v57  }
0x1e3: {  	v8 =	vor.u32 v8, v9  }
0x1e4: {  	v9 =	vperm.xlane v8, v3;
	_ =	sdelay $0x1  }
0x1e5: {  	v8 =	vperm.xlane v8, v6;
	v9 =	vadd.s32 v4, v9;
	_ =	sdelay $0x1  }
0x1e6: {  	v8 =	vadd.s32 v4, v8;
	_ =	sdelay $0x1  }
0x1e7: {  	s19 =	simm.s32 $0x9A00  }
0x1e8: {  	[tilespmem:s19], [sflag:$0x1] =	stream.indirect_vreg.gather [hbm4b:s1+s4], $0x80, v9, vm0, $0xb8;
	[tilespmem:$0x1EF00] =	vst v63  }
0x1e9: {  	s20 =	simm.s32 $0xA200  }
0x1ea: {  	[tilespmem:s20], [sflag:$0x1] =	stream.indirect_vreg.gather [hbm4b:s1+s4], $0x80, v8, vm0, $0xb8;
	[tilespmem:$0x1EF00] =	vst v63  }
0x1eb: {  	v8 =	vld [tilespmem:s8+$0x25C0];
	_ =	sdelay $0x4  }
0x1ec: {  	v58 =	vshll.u32 v8, $0x1  }
0x1ed: {  	v8 =	vand.u32 $0x7, v8;
	v9 =	vand.u32 $0xFFFFFFF0, v58  }
0x1ee: {  	v8 =	vor.u32 v8, v9  }
0x1ef: {  	v9 =	vperm.xlane v8, v3;
	_ =	sdelay $0x1  }
0x1f0: {  	v8 =	vperm.xlane v8, v6;
	v9 =	vadd.s32 v4, v9;
	_ =	sdelay $0x1  }
0x1f1: {  	v8 =	vadd.s32 v4, v8;
	_ =	sdelay $0x1  }
0x1f2: {  	s21 =	simm.s32 $0x10A00  }
0x1f3: {  	[tilespmem:s21], [sflag:$0x3] =	stream.indirect_vreg.gather [hbm4b:s3+s4], $0x80, v9, vm0, $0xb8;
	[tilespmem:$0x1EF00] =	vst v63  }
0x1f4: {  	s11 =	simm.s32 $0x11200  }
0x1f5: {  	[tilespmem:s11], [sflag:$0x3] =	stream.indirect_vreg.gather [hbm4b:s3+s4], $0x80, v8, vm0, $0xb8;
	[tilespmem:$0x1EF00] =	vst v63  }
0x1f6: {  	v8 =	vld [tilespmem:s8+$0x25D0];
	_ =	sdelay $0x4  }
0x1f7: {  	v59 =	vshll.u32 v8, $0x1  }
0x1f8: {  	v8 =	vand.u32 $0x7, v8;
	v9 =	vand.u32 $0xFFFFFFF0, v59  }
0x1f9: {  	v8 =	vor.u32 v8, v9  }
0x1fa: {  	v9 =	vperm.xlane v8, v3;
	_ =	sdelay $0x1  }
0x1fb: {  	v8 =	vperm.xlane v8, v6;
	v9 =	vadd.s32 v4, v9;
	_ =	sdelay $0x1  }
0x1fc: {  	v8 =	vadd.s32 v4, v8;
	_ =	sdelay $0x1  }
0x1fd: {  	s12 =	simm.s32 $0x11A00  }
0x1fe: {  	[tilespmem:s12], [sflag:$0x3] =	stream.indirect_vreg.gather [hbm4b:s3+s4], $0x80, v9, vm0, $0xb8;
	[tilespmem:$0x1EF00] =	vst v63  }
0x1ff: {  	s13 =	simm.s32 $0x12200  }
0x200: {  	[tilespmem:s13], [sflag:$0x3] =	stream.indirect_vreg.gather [hbm4b:s3+s4], $0x80, v8, vm0, $0xb8;
	[tilespmem:$0x1EF00] =	vst v63  }
0x201: {  	v8 =	vld [tilespmem:s8+$0x25E0];
	_ =	sdelay $0x4  }
0x202: {  	v60 =	vshll.u32 v8, $0x1  }
0x203: {  	v8 =	vand.u32 $0x7, v8;
	v9 =	vand.u32 $0xFFFFFFF0, v60  }
0x204: {  	v8 =	vor.u32 v8, v9  }
0x205: {  	v9 =	vperm.xlane v8, v3;
	_ =	sdelay $0x1  }
0x206: {  	v8 =	vperm.xlane v8, v6;
	v9 =	vadd.s32 v4, v9;
	_ =	sdelay $0x1  }
0x207: {  	v8 =	vadd.s32 v4, v8;
	_ =	sdelay $0x1  }
0x208: {  	s14 =	simm.s32 $0x12A00  }
0x209: {  	[tilespmem:s14], [sflag:$0x3] =	stream.indirect_vreg.gather [hbm4b:s3+s4], $0x80, v9, vm0, $0xb8;
	[tilespmem:$0x1EF00] =	vst v63  }
0x20a: {  	s15 =	simm.s32 $0x13200  }
0x20b: {  	[tilespmem:s15], [sflag:$0x3] =	stream.indirect_vreg.gather [hbm4b:s3+s4], $0x80, v8, vm0, $0xb8;
	[tilespmem:$0x1EF00] =	vst v63  }
0x20c: {  	v8 =	vld [tilespmem:s8+$0x25F0];
	_ =	sdelay $0x4  }
0x20d: {  	v61 =	vshll.u32 v8, $0x1  }
0x20e: {  	v8 =	vand.u32 $0x7, v8;
	v9 =	vand.u32 $0xFFFFFFF0, v61  }
0x20f: {  	v8 =	vor.u32 v8, v9  }
0x210: {  	v9 =	vperm.xlane v8, v3;
	_ =	sdelay $0x1  }
0x211: {  	v8 =	vperm.xlane v8, v6;
	v9 =	vadd.s32 v4, v9;
	_ =	sdelay $0x1  }
0x212: {  	v8 =	vadd.s32 v4, v8;
	_ =	sdelay $0x1  }
0x213: {  	s16 =	simm.s32 $0x13A00  }
0x214: {  	[tilespmem:s16], [sflag:$0x3] =	stream.indirect_vreg.gather [hbm4b:s3+s4], $0x80, v9, vm0, $0xb8;
	[tilespmem:$0x1EF00] =	vst v63  }
0x215: {  	s17 =	simm.s32 $0x14200  }
0x216: {  	[tilespmem:s17], [sflag:$0x3] =	stream.indirect_vreg.gather [hbm4b:s3+s4], $0x80, v8, vm0, $0xb8;
	[tilespmem:$0x1EF00] =	vst v63  }
0x217: {  	v8 =	vld [tilespmem:s8+$0x2600];
	_ =	sdelay $0x4  }
0x218: {  	v62 =	vshll.u32 v8, $0x1  }
0x219: {  	v8 =	vand.u32 $0x7, v8;
	v9 =	vand.u32 $0xFFFFFFF0, v62  }
0x21a: {  	v8 =	vor.u32 v8, v9  }
0x21b: {  	v9 =	vperm.xlane v8, v3;
	_ =	sdelay $0x1  }
0x21c: {  	v8 =	vperm.xlane v8, v6;
	v9 =	vadd.s32 v4, v9;
	_ =	sdelay $0x1  }
0x21d: {  	v8 =	vadd.s32 v4, v8;
	_ =	sdelay $0x1  }
0x21e: {  	s18 =	simm.s32 $0x14A00  }
0x21f: {  	[tilespmem:s18], [sflag:$0x3] =	stream.indirect_vreg.gather [hbm4b:s3+s4], $0x80, v9, vm0, $0xb8;
	[tilespmem:$0x1EF00] =	vst v63  }
0x220: {  	s19 =	simm.s32 $0x15200  }
0x221: {  	[tilespmem:s19], [sflag:$0x3] =	stream.indirect_vreg.gather [hbm4b:s3+s4], $0x80, v8, vm0, $0xb8;
	[tilespmem:$0x1EF00] =	vst v63  }
0x222: {  	v8 =	vld [tilespmem:s8+$0x2610];
	_ =	sdelay $0x4  }
0x223: {  	v63 =	vshll.u32 v8, $0x1  }
0x224: {  	v8 =	vand.u32 $0x7, v8;
	v9 =	vand.u32 $0xFFFFFFF0, v63  }
0x225: {  	v8 =	vor.u32 v8, v9  }
0x226: {  	v9 =	vperm.xlane v8, v3;
	_ =	sdelay $0x1  }
0x227: {  	v8 =	vperm.xlane v8, v6;
	v9 =	vadd.s32 v4, v9;
	_ =	sdelay $0x1  }
0x228: {  	v8 =	vadd.s32 v4, v8;
	_ =	sdelay $0x1  }
0x229: {  	s20 =	simm.s32 $0x15A00  }
0x22a: {  	[tilespmem:s20], [sflag:$0x3] =	stream.indirect_vreg.gather [hbm4b:s3+s4], $0x80, v9, vm0, $0xb8;
	[tilespmem:$0x1EF00] =	vst v63  }
0x22b: {  	s21 =	simm.s32 $0x16200  }
0x22c: {  	[tilespmem:s21], [sflag:$0x3] =	stream.indirect_vreg.gather [hbm4b:s3+s4], $0x80, v8, vm0, $0xb8;
	[tilespmem:$0x1EF00] =	vst v63  }
.LBB2_8:
0x22d: {  	_ =	swait.ge [sflag:s10], $0x6000  }
0x22e: {  	[sflag:s10] =	ssyncset.done $0x0  }
0x22f: {  	[sflag:s10] =	ssyncadd.s32 $0xFFFFA000  }
0x230: {  	_ =	swait.ge [sflag:s6], $0x6000  }
0x231: {  	s8 =	sadd.s32 $0x1CA00, s5;
	s5 =	simm.s32 $0x0;
	[sflag:s6] =	ssyncset.done $0x0  }
0x232: {  	s9 =	simm.s32 $0x0;
	v8 =	vmov s8;
	s8 =	simm.s32 $0x0;
	[sflag:s6] =	ssyncadd.s32 $0xFFFFA000  }
.LBB2_9:
0x233: {  	s11 =	sand.u32 $0x7800, s8;
	s12 =	sand.u32 $0x380, s5  }
0x234: {  	s14 =	sor.u32 s12, s11  }
0x235: {  	v9 =	vld [tilespmem:s14+$0xAA30]  }
0x236: {  	v10 =	vld [tilespmem:s14+$0x16A30]  }
0x237: {  	v11 =	vld [tilespmem:s14+$0xAA70]  }
0x238: {  	v12 =	vld [tilespmem:s14+$0x16A70]  }
0x239: {  	v15 =	vld [tilespmem:s14+$0xAE30]  }
0x23a: {  	v16 =	vld [tilespmem:s14+$0x16E30]  }
0x23b: {  	v13 =	vld [tilespmem:s14+$0xAA20]  }
0x23c: {  	v14 =	vld [tilespmem:s14+$0x16A20]  }
0x23d: {  	v17 =	vld [tilespmem:s14+$0xAA60]  }
0x23e: {  	v18 =	vld [tilespmem:s14+$0x16A60]  }
0x23f: {  	v19 =	vld [tilespmem:s14+$0xAE20]  }
0x240: {  	v20 =	vld [tilespmem:s14+$0x16E20]  }
0x241: {  	v21 =	vld [tilespmem:s14+$0xAA00]  }
0x242: {  	v22 =	vld [tilespmem:s14+$0x16A00]  }
0x243: {  	v23 =	vld [tilespmem:s14+$0xAA10]  }
0x244: {  	v24 =	vld [tilespmem:s14+$0x16A10]  }
0x245: {  	v25 =	vld [tilespmem:s14+$0xAA40]  }
0x246: {  	v26 =	vld [tilespmem:s14+$0x16A40]  }
0x247: {  	v27 =	vld [tilespmem:s14+$0xAA50]  }
0x248: {  	v28 =	vld [tilespmem:s14+$0x16A50]  }
0x249: {  	v29 =	vld [tilespmem:s14+$0xAE00]  }
0x24a: {  	v30 =	vld [tilespmem:s14+$0x16E00]  }
0x24b: {  	v31 =	vld [tilespmem:s14+$0xAE10]  }
0x24c: {  	v32 =	vld [tilespmem:s14+$0x16E10]  }
0x24d: {  	v33 =	vld [tilespmem:s14+$0xAE40]  }
0x24e: {  	v34 =	vld [tilespmem:s14+$0x16E40]  }
0x24f: {  	v35 =	vld [tilespmem:s14+$0xAE50]  }
0x250: {  	v36 =	vld [tilespmem:s14+$0x16E50];
	v37 =	vmul.f32 v10, v9;
	v11 =	vmul.f32 v12, v11  }
0x251: {  	v9 =	vld [tilespmem:s14+$0xAE60];
	v10 =	vmul.f32 v14, v13;
	v18 =	vmul.f32 v18, v17  }
0x252: {  	s13 =	sadd.s32 $0x100, s8;
	s12 =	simm.s32 $0x80;
	v17 =	vld [tilespmem:s14+$0x16E60];
	v14 =	vmul.f32 v22, v21;
	v21 =	vmul.f32 v24, v23  }
0x253: {  	s21 =	sand.u32 $0x7800, s13;
	s15 =	sand.u32 $0x380, s12;
	v22 =	vld [tilespmem:s14+$0xAE70];
	v23 =	vmul.f32 v26, v25;
	v24 =	vmul.f32 v28, v27  }
0x254: {  	s11 =	sor.u32 s15, s21;
	v25 =	vld [tilespmem:s14+$0x16E70];
	v26 =	vmul.f32 v30, v29;
	v27 =	vmul.f32 v32, v31  }
0x255: {  	v12 =	vld [tilespmem:s11+$0xAA30];
	v28 =	vmul.f32 v34, v33;
	v29 =	vmul.f32 v36, v35  }
0x256: {  	v13 =	vld [tilespmem:s11+$0x16A30];
	v19 =	vmul.f32 v20, v19;
	v21 =	vadd.f32 v21, v14;
	v23 =	vadd.f32 v24, v23  }
0x257: {  	v30 =	vld [tilespmem:s11+$0x16A50];
	v20 =	vadd.f32 v27, v26;
	v24 =	vadd.f32 v29, v28;
	v26 =	vmul.f32 v17, v9  }
0x258: {  	v15 =	vmul.f32 v16, v15;
	v32 =	vld [tilespmem:s11+$0x16E00];
	v21 =	vadd.f32 v10, v21;
	v18 =	vadd.f32 v18, v23  }
0x259: {  	v33 =	vld [tilespmem:s11+$0xAE10];
	v16 =	vadd.f32 v19, v20;
	v20 =	vmul.f32 v25, v22;
	v19 =	vadd.f32 v26, v24  }
0x25a: {  	v35 =	vld [tilespmem:s11+$0x16E10];
	v21 =	vadd.f32 v37, v21;
	v11 =	vadd.f32 v11, v18  }
0x25b: {  	v34 =	vld [tilespmem:s11+$0xAE40];
	v15 =	vadd.f32 v15, v16;
	v16 =	vadd.f32 v20, v19  }
0x25c: {  	v14 =	vld [tilespmem:s11+$0xAA70]  }
0x25d: {  	v27 =	vld [tilespmem:s11+$0x16A10];
	v11 =	vadd.f32 v11, v21;
	v16 =	vadd.f32 v16, v15  }
0x25e: {  	v28 =	vld [tilespmem:s11+$0xAA50]  }
0x25f: {  	v10 =	vld [tilespmem:s11+$0x16E30];
	v11 =	vadd.f32 v16, v11  }
0x260: {  	v23 =	vld [tilespmem:s11+$0x16A00]  }
0x261: {  	v17 =	vld [tilespmem:s11+$0x16A70];
	v24 =	vperm.xlane v11, v1  }
0x262: {  	v9 =	vld [tilespmem:s11+$0xAE30]  }
0x263: {  	v22 =	vld [tilespmem:s11+$0xAA00];
	v11 =	vadd.f32 v11, v24  }
0x264: {  	v25 =	vld [tilespmem:s11+$0xAA10]  }
0x265: {  	v18 =	vld [tilespmem:s11+$0xAA20];
	v29 =	vperm.xlane v11, v2  }
0x266: {  	v37 =	vld [tilespmem:s11+$0x16E40]  }
0x267: {  	v26 =	vld [tilespmem:s11+$0x16A40];
	v11 =	vadd.f32 v11, v29  }
0x268: {  	v21 =	vld [tilespmem:s11+$0x16A60]  }
0x269: {  	v19 =	vld [tilespmem:s11+$0x16A20];
	v31 =	vperm.xlane v11, v5  }
0x26a: {  	v20 =	vld [tilespmem:s11+$0xAA60]  }
0x26b: {  	v15 =	vld [tilespmem:s11+$0xAE20];
	v31 =	vadd.f32 v11, v31  }
0x26c: {  	v16 =	vld [tilespmem:s11+$0x16E20]  }
0x26d: {  	s17 =	simm.s32 $0x2;
	v24 =	vld [tilespmem:s11+$0xAA40];
	v36 =	vperm.xlane v31, v7  }
0x26e: {  	s16 =	simm.s32 $0x0;
	s15 =	simm.s32 $0x1;
	s14 =	sshll.u32 s9, $0x4;
	v29 =	vld [tilespmem:s11+$0xAE00];
	v11 =	vimm.f32 $0.0e+00  }
.LBB2_10:
0x26f: {  	p0 =	sne.s32 s17, $0xF;
	v38 =	vld [tilespmem:s11+$0xAE50];
	v39 =	vmov s16;
	v31 =	vadd.f32 v31, v36;
	s16 =	smov.u32 s15;
	s15 =	smov.u32 s17  }
0x270: {  	v36 =	vmul.f32 v13, v12;
	v40 =	vmul.f32 v17, v14;
	v13 =	vld [tilespmem:s11+$0x16E50];
	vm1 =	veq.s32 v39, v0  }
0x271: {  	v18 =	vmul.f32 v19, v18;
	v19 =	vmul.f32 v21, v20;
	v17 =	vld [tilespmem:s11+$0xAE60];
	v11 =	vsel vm1, v31, v11  }
0x272: {  	v14 =	vmul.f32 v23, v22;
	v20 =	vmul.f32 v27, v25;
	s12 =	sadd.s32 $0x80, s12;
	s13 =	sadd.s32 $0x100, s13;
	v21 =	vld [tilespmem:s11+$0x16E60]  }
0x273: {  	v22 =	vmul.f32 v26, v24;
	v23 =	vmul.f32 v30, v28;
	s18 =	sand.u32 $0x7800, s13;
	s19 =	sand.u32 $0x380, s12;
	v24 =	vld [tilespmem:s11+$0xAE70]  }
0x274: {  	v25 =	vmul.f32 v32, v29;
	v26 =	vmul.f32 v35, v33;
	v27 =	vld [tilespmem:s11+$0x16E70];
	s11 =	sor.u32 s19, s18  }
0x275: {  	v28 =	vmul.f32 v37, v34;
	v12 =	vld [tilespmem:s11+$0xAA30];
	v29 =	vmul.f32 v13, v38  }
0x276: {  	v15 =	vmul.f32 v16, v15;
	v20 =	vadd.f32 v20, v14;
	v22 =	vadd.f32 v23, v22;
	v13 =	vld [tilespmem:s11+$0x16A30]  }
0x277: {  	v16 =	vadd.f32 v26, v25;
	v14 =	vld [tilespmem:s11+$0xAA70];
	v23 =	vadd.f32 v29, v28;
	v21 =	vmul.f32 v21, v17  }
0x278: {  	v18 =	vadd.f32 v18, v20;
	v19 =	vadd.f32 v19, v22;
	v20 =	vmul.f32 v10, v9;
	v17 =	vld [tilespmem:s11+$0x16A70]  }
0x279: {  	v15 =	vadd.f32 v15, v16;
	v9 =	vld [tilespmem:s11+$0xAE30];
	v16 =	vadd.f32 v21, v23;
	v21 =	vmul.f32 v27, v24  }
0x27a: {  	v22 =	vadd.f32 v36, v18;
	v23 =	vadd.f32 v40, v19;
	v10 =	vld [tilespmem:s11+$0x16E30]  }
0x27b: {  	v15 =	vadd.f32 v20, v15;
	v18 =	vld [tilespmem:s11+$0xAA20];
	v16 =	vadd.f32 v21, v16  }
0x27c: {  	v19 =	vld [tilespmem:s11+$0x16A20]  }
0x27d: {  	v22 =	vadd.f32 v23, v22;
	v20 =	vld [tilespmem:s11+$0xAA60];
	v16 =	vadd.f32 v16, v15  }
0x27e: {  	v21 =	vld [tilespmem:s11+$0x16A60]  }
0x27f: {  	v15 =	vld [tilespmem:s11+$0xAE20];
	v24 =	vadd.f32 v16, v22  }
0x280: {  	v16 =	vld [tilespmem:s11+$0x16E20]  }
0x281: {  	v22 =	vld [tilespmem:s11+$0xAA00];
	v26 =	vperm.xlane v24, v1  }
0x282: {  	v23 =	vld [tilespmem:s11+$0x16A00]  }
0x283: {  	v25 =	vld [tilespmem:s11+$0xAA10];
	v29 =	vadd.f32 v24, v26  }
0x284: {  	v27 =	vld [tilespmem:s11+$0x16A10]  }
0x285: {  	v24 =	vld [tilespmem:s11+$0xAA40];
	v30 =	vperm.xlane v29, v2  }
0x286: {  	v26 =	vld [tilespmem:s11+$0x16A40]  }
0x287: {  	v28 =	vld [tilespmem:s11+$0xAA50];
	v31 =	vadd.f32 v29, v30  }
0x288: {  	v30 =	vld [tilespmem:s11+$0x16A50]  }
0x289: {  	v29 =	vld [tilespmem:s11+$0xAE00];
	v34 =	vperm.xlane v31, v5  }
.Ltmp3:
0x28a: {  	v32 =	vld [tilespmem:s11+$0x16E00];
	(pc) =	sbr.rel @p0 .LBB2_10-.Ltmp3, $4  }
0x28b: {  	v33 =	vld [tilespmem:s11+$0xAE10];
	v31 =	vadd.f32 v31, v34  }
0x28c: {  	v35 =	vld [tilespmem:s11+$0x16E10]  }
0x28d: {  	v34 =	vld [tilespmem:s11+$0xAE40];
	v36 =	vperm.xlane v31, v7  }
0x28e: {  	s17 =	sadd.s32 $0x1, s17;
	v37 =	vld [tilespmem:s11+$0x16E40]  }
0x28f: {  	v38 =	vld [tilespmem:s11+$0xAE50]  }
0x290: {  	v12 =	vmul.f32 v13, v12;
	v43 =	vmul.f32 v17, v14;
	v44 =	vld [tilespmem:s11+$0x16E50]  }
0x291: {  	v45 =	vmul.f32 v19, v18;
	v46 =	vmul.f32 v21, v20;
	v47 =	vld [tilespmem:s11+$0xAE60]  }
0x292: {  	v48 =	vmul.f32 v23, v22;
	v49 =	vmul.f32 v27, v25;
	v50 =	vld [tilespmem:s11+$0x16E60]  }
0x293: {  	v51 =	vmul.f32 v26, v24;
	v52 =	vmul.f32 v30, v28;
	v53 =	vld [tilespmem:s11+$0xAE70]  }
0x294: {  	v54 =	vmul.f32 v32, v29;
	v56 =	vld [tilespmem:s11+$0x16E70];
	v55 =	vmul.f32 v35, v33  }
0x295: {  	v57 =	vmul.f32 v37, v34;
	v14 =	vmul.f32 v44, v38  }
0x296: {  	v15 =	vmul.f32 v16, v15;
	v20 =	vadd.f32 v49, v48;
	v58 =	vadd.f32 v52, v51  }
0x297: {  	v59 =	vadd.f32 v55, v54;
	v19 =	vmul.f32 v50, v47;
	v14 =	vadd.f32 v14, v57  }
0x298: {  	v9 =	vmul.f32 v10, v9;
	v17 =	vadd.f32 v45, v20;
	v18 =	vadd.f32 v46, v58  }
0x299: {  	v60 =	vmul.f32 v56, v53;
	v10 =	vadd.f32 v15, v59;
	v14 =	vadd.f32 v19, v14  }
0x29a: {  	v12 =	vadd.f32 v12, v17;
	v13 =	vadd.f32 v43, v18  }
0x29b: {  	v9 =	vadd.f32 v9, v10;
	v10 =	vadd.f32 v60, v14;
	_ =	sdelay $0x1  }
0x29c: {  	v12 =	vadd.f32 v13, v12;
	v9 =	vadd.f32 v10, v9;
	_ =	sdelay $0x1  }
0x29d: {  	v9 =	vadd.f32 v9, v12;
	_ =	sdelay $0x1  }
0x29e: {  	v10 =	vperm.xlane v9, v1;
	_ =	sdelay $0x1  }
0x29f: {  	v9 =	vadd.f32 v9, v10;
	_ =	sdelay $0x1  }
0x2a0: {  	v10 =	vperm.xlane v9, v2;
	_ =	sdelay $0x1  }
0x2a1: {  	v9 =	vadd.f32 v9, v10;
	_ =	sdelay $0x1  }
0x2a2: {  	v10 =	vperm.xlane v9, v5;
	_ =	sdelay $0x1  }
0x2a3: {  	v9 =	vadd.f32 v9, v10;
	_ =	sdelay $0x1  }
0x2a4: {  	v10 =	vperm.xlane v9, v7  }
0x2a5: {  	v61 =	vmov s16;
	v62 =	vadd.f32 v31, v36  }
0x2a6: {  	v63 =	vmov s15;
	vm1 =	veq.s32 v61, v0;
	v9 =	vadd.f32 v9, v10  }
0x2a7: {  	v10 =	vsel vm1, v62, v11;
	vm1 =	veq.s32 v63, v0  }
0x2a8: {  	v9 =	vsel vm1, v9, v10  }
0x2a9: {  	v9 =	vsub.f32 $0.0e+00, v9;
	_ =	sdelay $0x1  }
0x2aa: {  	v9 =	vmul.f32 $1.442695020e+00, v9;
	_ =	sdelay $0x1  }
0x2ab: {  	(erf) = vpow2.f32 v9;
	_ =	sdelay $0x8  }
0x2ac: {  	v9 =	vpop (erf)  }
0x2ad: {  	v9 =	vadd.f32 $1.000000000e+00, v9;
	_ =	sdelay $0x1  }
0x2ae: {  	(erf) = vrcp.f32 v9;
	_ =	sdelay $0x3  }
0x2af: {  	s9 =	sadd.s32 $0x1, s9  }
0x2b0: {  	p0 =	sne.s32 s9, $0x6  }
.Ltmp4:
0x2b1: {  	_ = 	snop;
	(pc) =	sbr.rel @p0 .LBB2_9-.Ltmp4, $3  }
0x2b2: {  	_ =	sdelay $0x1  }
0x2b3: {  	v9 =	vpop (erf)  }
0x2b4: {  	s8 =	sadd.s32 $0x1000, s8;
	[tilespmem:v8+s14+$0x0 ss:$0x1] =	vst.idx.msk $0xffff, v9  }
0x2b5: {  	s7 =	sadd.s32 $0x1, s7  }
0x2b6: {  	p0 =	sne.s32 s7, $0x31  }
.Ltmp5:
0x2b7: {  	_ = 	snop;
	(pc) =	sbr.rel @p0 .LBB2_2-.Ltmp5, $1  }
0x2b8: {  	_ =	sdelay $0x3  }
0x2b9: {  	s5 =	rddreg [dreg:$0x6];
	s7 =	simm.s32 $0x1CA00  }
0x2ba: {  	[hbm4b:s5+s4] =	stream.linear.scatter [tilespmem:s7], [sflag:$0x5], $0x24C0, $0x38;
	[tilespmem:$0x1EF00] =	vst v63  }
0x2bb: {  	s7 =	simm.s32 $0x5  }
0x2bc: {  	_ =	swait.ge [sflag:s7], $0x24C0  }
0x2bd: {  	s8 =	rddreg [dreg:$0x8]  }
0x2be: {  	s21 =	rddreg [dreg:$0x7];
	s8 =	sadd.s32 $0x1, s8  }
0x2bf: {  	p0 =	sne.s32 s8, s21  }
.Ltmp6:
0x2c0: {  	_ = 	snop;
	(pc) =	sbr.rel @p0 .LBB2_1-.Ltmp6, $3  }
0x2c1: {  	_ =	sdelay $0x1  }
0x2c2: {  	[sflag:s7] =	ssyncset.done $0x0  }
0x2c3: {  	[sflag:s7] =	ssyncadd.s32 $0xFFFFDB40  }
0x2c4: {  	_ =	sfence.sel $0x180000  }
0x2c5: {  	[bflag:$0x0] =	sbarrier.arrive $0xFFFF  }
0x2c6: {  	_ =	strace $0x90000047  }
0x2c7: {  	s0 =	stileid.u32;
	[bflag:$0x2] =	sbarrier.arrive $0xFFFF  }
0x2c8: {  	p0 =	sne.s32 s0, $0x0;
	s0 =	rddreg [dreg:$0x3]  }
0x2c9: {  	s0 =	sadd.s32 @!p0 $0x100000, s0  }
0x2ca: {  	[sflag:s0] =	ssyncadd.tile.s32 @!p0 $0x1;
	_ =	shalt  }
.Lfunc_end2:
_tile_overlayer_lowered:
.L_overlay_start_2:
0x2cb: {  	(tag) =	ssettag $0x2  }
0x2cc: {  	s0 =	rddreg [dreg:$0x0];
	s2 =	stileid.u32  }
0x2cd: {  	s1 =	rddreg [dreg:$0x1];
	p0 =	sne.s32 s2, $0x0  }
0x2ce: {  	s3 =	rddreg [dreg:$0x2];
	[bflag:$0x3] =	sbarrier.arrive $0xFFFF;
	s2 =	simm.s32 @!p0 $0x1C05  }
0x2cf: {  	[timem:s3], [sflag:s2] =	dma.local @!p0 [hbm:s0], s1  }
0x2d0: {  	s0 =	simm.s32 @!p0 $0x5  }
0x2d1: {  	_ =	swait.ge @!p0 [sflag:s0], s1  }
0x2d2: {  	s1 =	ssub.s32 @!p0 $0x0, s1;
	[sflag:s0] =	ssyncset.done @!p0 $0x0  }
0x2d3: {  	[sflag:s0] =	ssyncadd.s32 @!p0 s1  }
0x2d4: {  	[bflag:$0x3] =	sbarrier.arrive $0xFFFF  }
0x2d5: {  	_ =	shalt  }

</sc_bundles>
